<compile_context>
chip_gen: v7x
topology: tpu7x:2x2x1
jax: 0.10.2.dev20260603
libtpu: 0.0.44.dev20260713+nightly
codegen_flags: <defaults>
</compile_context>

<pallas_src>
import jax
import jax.numpy as jnp
from jax import lax
from jax.experimental import pallas as pl
from jax.experimental.pallas import tpu as pltpu
from jax.experimental.pallas import tpu_sc as plsc

N = 32768
C = 128
G = 64

_ROWS = 8192
_NT = 16
_E = N // _NT
_L = 16


def _tc_body(x_ref, ids_ref, s1_ref, cnt_ref):
    i = pl.program_id(0)
    x = x_ref[...]
    m = jnp.max(x, axis=1, keepdims=True)
    e = jnp.exp(x - m)
    s = jnp.sum(e, axis=1, keepdims=True)
    logz = jnp.log(s) + m
    ids = ids_ref[...]
    gi = lax.broadcasted_iota(jnp.int32, (G, _ROWS), 0)
    oh_t = jnp.where(gi == ids[None, :], 1.0, 0.0)
    b = jnp.concatenate([logz, jnp.ones_like(logz)], axis=1)
    r = jnp.dot(oh_t, b, preferred_element_type=jnp.float32)

    @pl.when(i == 0)
    def _():
        s1_ref[...] = jnp.zeros((G,), jnp.float32)
        cnt_ref[...] = jnp.zeros((G,), jnp.float32)

    s1_ref[...] += r[:, 0]
    cnt_ref[...] += r[:, 1]


def _logz_group_sums(y_pred, ids):
    grid = N // _ROWS
    return pl.pallas_call(
        _tc_body,
        grid=(grid,),
        in_specs=[
            pl.BlockSpec((_ROWS, C), lambda i: (i, 0)),
            pl.BlockSpec((_ROWS,), lambda i: (i,)),
        ],
        out_specs=[
            pl.BlockSpec((G,), lambda i: (0,)),
            pl.BlockSpec((G,), lambda i: (0,)),
        ],
        out_shape=[
            jax.ShapeDtypeStruct((G,), jnp.float32),
            jax.ShapeDtypeStruct((G,), jnp.float32),
        ],
    )(y_pred, ids)


def _gather_body(yp_hbm, yt_hbm, ids_hbm, s2_hbm,
                 yt_v, idx_v, tl_v, ids_v, sums_v, comb_v, big_v,
                 shared, sem):
    s = lax.axis_index("s")
    base = s * _E
    pltpu.sync_copy(yt_hbm.at[pl.ds(base, _E)], yt_v)
    pltpu.sync_copy(ids_hbm.at[pl.ds(base, _E)], ids_v)

    lane = lax.iota(jnp.int32, _L)

    def ibody(i, carry):
        row = base + i * _L + lane
        idx_v[pl.ds(i * _L, _L)] = row * C + yt_v[pl.ds(i * _L, _L)]
        return carry

    lax.fori_loop(0, _E // _L, ibody, 0)

    cp = pltpu.async_copy(yp_hbm.at[idx_v], tl_v, sem)

    zeros = jnp.zeros((_L,), jnp.float32)
    for r in range(_L):
        for j in range(G // _L):
            sums_v[pl.ds(r * G + j * _L, _L)] = zeros

    cp.wait()

    lane_off = lane * G

    def body(i, carry):
        t = tl_v[pl.ds(i * _L, _L)]
        g = ids_v[pl.ds(i * _L, _L)]
        plsc.addupdate_scatter(sums_v, [lane_off + g], t)
        return carry

    lax.fori_loop(0, _E // _L, body, 0)

    for j in range(G // _L):
        acc = sums_v[pl.ds(j * _L, _L)]
        for r in range(1, _L):
            acc = acc + sums_v[pl.ds(r * G + j * _L, _L)]
        comb_v[pl.ds(j * _L, _L)] = acc

    pltpu.sync_copy(comb_v, shared.at[pl.ds(s * G, G)])
    plsc.subcore_barrier()

    @pl.when(s == 0)
    def _():
        pltpu.sync_copy(shared, big_v)
        for j in range(G // _L):
            s2 = big_v[pl.ds(j * _L, _L)]
            for t in range(1, _NT):
                s2 = s2 + big_v[pl.ds(t * G + j * _L, _L)]
            comb_v[pl.ds(j * _L, _L)] = s2
        pltpu.sync_copy(comb_v, s2_hbm)


def _gather_s2(yp_flat, y_true, ids):
    mesh = plsc.VectorSubcoreMesh(
        core_axis_name="c", subcore_axis_name="s", num_cores=1)
    kfn = pl.kernel(
        _gather_body,
        out_type=jax.ShapeDtypeStruct((G,), jnp.float32),
        mesh=mesh,
        compiler_params=pltpu.CompilerParams(needs_layout_passes=False),
        scratch_types=[
            pltpu.VMEM((_E,), jnp.int32),
            pltpu.VMEM((_E,), jnp.int32),
            pltpu.VMEM((_E,), jnp.float32),
            pltpu.VMEM((_E,), jnp.int32),
            pltpu.VMEM((_L * G,), jnp.float32),
            pltpu.VMEM((G,), jnp.float32),
            pltpu.VMEM((_NT * G,), jnp.float32),
            pltpu.VMEM_SHARED((_NT * G,), jnp.float32),
            pltpu.SemaphoreType.DMA,
        ],
    )
    return kfn(yp_flat, y_true, ids)


def _final_body(s1_ref, cnt_ref, s2_ref, out_ref):
    s1 = s1_ref[...]
    cv = cnt_ref[...]
    s2 = s2_ref[...]
    gl = jnp.where(cv > 0.0, (s1 - s2) / jnp.maximum(cv, 1.0), 0.0)
    out_ref[...] = jnp.full((1,), jnp.sum(gl), jnp.float32)


def _final(s1, cnt, s2):
    return pl.pallas_call(
        _final_body,
        out_shape=jax.ShapeDtypeStruct((1,), jnp.float32),
    )(s1, cnt, s2)


def kernel(y_pred, y_true, id_mask):
    ids = id_mask.reshape(N).astype(jnp.int32)
    s2 = _gather_s2(y_pred.reshape(N * C),
                    y_true.reshape(N).astype(jnp.int32), ids)
    s1, cnt = _logz_group_sums(y_pred, ids)
    out1 = _final(s1, cnt, s2)
    return out1[0]

# --- scband reference (transcript-rebuilt; emitter-appended) ---
"""Pipeline reference for scband-loss-per-id-27599459844109 (READ-ONLY COPY).

The authoritative reference and input builder live on the scoring server;
editing this copy changes nothing except your own understanding.
"""

import jax, jax.numpy as jnp
import numpy as np

N = 32768
C = 128
G = 64

def setup_inputs(seed: int = 0) -> dict:
    key = jax.random.key(seed)
    k1, k2, k3 = jax.random.split(key, 3)
    y_pred = jax.random.normal(k1, (N, C), dtype=jnp.float32)
    y_true = jax.random.randint(k2, (N,), 0, C, dtype=jnp.int32)
    id_mask = jnp.sort(jax.random.randint(k3, (N,), 0, G, dtype=jnp.int32))
    return {"y_pred": y_pred, "y_true": y_true, "id_mask": id_mask}

def reference(y_pred, y_true, id_mask):
    # Per-sample cross-entropy (criterion = CrossEntropyLoss(reduction='none'))
    id_mask = id_mask.reshape((y_true.shape[0],))
    y_true = y_true.astype(jnp.int32)
    logz = jax.nn.logsumexp(y_pred, axis=1)
    true_logit = jnp.take_along_axis(y_pred, y_true[:, None], axis=1)[:, 0]
    per_sample_loss = logz - true_logit
    # Per-group mean: sum of losses / group size, then sum over present groups.
    # Vectorized equivalent of the python loop over id_mask.unique().
    sums = jax.ops.segment_sum(per_sample_loss, id_mask, num_segments=G)
    counts = jax.ops.segment_sum(jnp.ones_like(per_sample_loss), id_mask, num_segments=G)
    group_loss = jnp.where(counts > 0, sums / jnp.maximum(counts, 1.0), 0.0)
    total_loss = jnp.sum(group_loss)
    return total_loss

if __name__ == "__main__":
    import jax
    _d = setup_inputs()
    print(jax.jit(kernel)(*tuple(_d.values())))

</pallas_src>

<mosaic_0001>
#map = affine_map<(d0, d1) -> (0)>
module attributes {stable_mosaic.version = 14 : i64} {
  func.func @_gather_body(%arg0: i32, %arg1: i32, %arg2: memref<4194304xf32, #tpu.memory_space<hbm>>, %arg3: memref<32768xi32, #tpu.memory_space<hbm>>, %arg4: memref<32768xi32, #tpu.memory_space<hbm>>, %arg5: memref<64xf32, #tpu.memory_space<hbm>>, %arg6: memref<2048xi32, #tpu.memory_space<vmem>>, %arg7: memref<2048xi32, #tpu.memory_space<vmem>>, %arg8: memref<2048xf32, #tpu.memory_space<vmem>>, %arg9: memref<2048xi32, #tpu.memory_space<vmem>>, %arg10: memref<1024xf32, #tpu.memory_space<vmem>>, %arg11: memref<64xf32, #tpu.memory_space<vmem>>, %arg12: memref<1024xf32, #tpu.memory_space<vmem>>, %arg13: memref<1024xf32, #tpu.memory_space<vmem_shared>>, %arg14: memref<!tpu.dma_semaphore, #tpu.memory_space<semaphore_mem>>) attributes {dimension_semantics = [#tpu.dimension_semantics<core_parallel>, #tpu.dimension_semantics<subcore_parallel>], iteration_bounds = array<i64: 1, 16>, scalar_prefetch = 0 : i64, scratch_operands = 9 : i64, tpu.core_type = #tpu.core_type<sc_vector_subcore>, window_params = [{transform_indices = #map}, {transform_indices = #map}, {transform_indices = #map}, {transform_indices = #map}]} {
    %mul3A = arith.constant 2048 : i32
    %mul3A_0 = arith.muli %arg1, %mul3A : i32
    "tpu.region"() ({
      %run_scoped3A = tpu.sem_alloc : memref<!tpu.dma_semaphore, #tpu.memory_space<semaphore_mem>>
      %dma_start3A_343 = tpu.memref_slice %arg3[%mul3A_0] : memref<32768xi32, #tpu.memory_space<hbm>> -> memref<2048xi32, #tpu.memory_space<hbm>>
      %dma_start3A_344 = tpu.memref_slice %arg3[%mul3A_0] : memref<32768xi32, #tpu.memory_space<hbm>> -> memref<2048xi32, #tpu.memory_space<hbm>>
      tpu.enqueue_dma source(%dma_start3A_344 : memref<2048xi32, #tpu.memory_space<hbm>>) target(%arg6 : memref<2048xi32, #tpu.memory_space<vmem>>) target_semaphore(%run_scoped3A : memref<!tpu.dma_semaphore, #tpu.memory_space<semaphore_mem>>)
      %dma_wait3A_345 = tpu.memref_slice %arg3[%mul3A_0] : memref<32768xi32, #tpu.memory_space<hbm>> -> memref<2048xi32, #tpu.memory_space<hbm>>
      %dma_wait3A_346 = tpu.memref_slice %arg3[%mul3A_0] : memref<32768xi32, #tpu.memory_space<hbm>> -> memref<2048xi32, #tpu.memory_space<hbm>>
      tpu.wait_dma2 semaphore(%run_scoped3A : memref<!tpu.dma_semaphore, #tpu.memory_space<semaphore_mem>>) src(%dma_wait3A_346 : memref<2048xi32, #tpu.memory_space<hbm>>) dst(%arg6 : memref<2048xi32, #tpu.memory_space<vmem>>)
      tpu.yield
    }) : () -> ()
    "tpu.region"() ({
      %run_scoped3A = tpu.sem_alloc : memref<!tpu.dma_semaphore, #tpu.memory_space<semaphore_mem>>
      %dma_start3A_343 = tpu.memref_slice %arg4[%mul3A_0] : memref<32768xi32, #tpu.memory_space<hbm>> -> memref<2048xi32, #tpu.memory_space<hbm>>
      %dma_start3A_344 = tpu.memref_slice %arg4[%mul3A_0] : memref<32768xi32, #tpu.memory_space<hbm>> -> memref<2048xi32, #tpu.memory_space<hbm>>
      tpu.enqueue_dma source(%dma_start3A_344 : memref<2048xi32, #tpu.memory_space<hbm>>) target(%arg9 : memref<2048xi32, #tpu.memory_space<vmem>>) target_semaphore(%run_scoped3A : memref<!tpu.dma_semaphore, #tpu.memory_space<semaphore_mem>>)
      %dma_wait3A_345 = tpu.memref_slice %arg4[%mul3A_0] : memref<32768xi32, #tpu.memory_space<hbm>> -> memref<2048xi32, #tpu.memory_space<hbm>>
      %dma_wait3A_346 = tpu.memref_slice %arg4[%mul3A_0] : memref<32768xi32, #tpu.memory_space<hbm>> -> memref<2048xi32, #tpu.memory_space<hbm>>
      tpu.wait_dma2 semaphore(%run_scoped3A : memref<!tpu.dma_semaphore, #tpu.memory_space<semaphore_mem>>) src(%dma_wait3A_346 : memref<2048xi32, #tpu.memory_space<hbm>>) dst(%arg9 : memref<2048xi32, #tpu.memory_space<vmem>>)
      tpu.yield
    }) : () -> ()
    %iota3A = tpu.iota {dimensions = array<i32: 0>} : vector<16xi32>
    %scan3A = arith.constant 0 : i32
    %scan3A_1 = arith.constant 0 : i32
    %scan3A_2 = arith.constant 128 : i32
    %scan3A_3 = arith.addi %scan3A_1, %scan3A_2 : i32
    %scan3A_4 = arith.constant 1 : i32
    scf.for %scan3A_343 = %scan3A_1 to %scan3A_3 step %scan3A_4  : i32 {
      %mul3A_344 = arith.constant 16 : i32
      %mul3A_345 = arith.muli %scan3A_343, %mul3A_344 : i32
      %add3A_346 = arith.addi %mul3A_0, %mul3A_345 : i32
      %add3A_347 = vector.broadcast %add3A_346 : i32 to vector<16xi32>
      %add3A_348 = arith.addi %add3A_347, %iota3A : vector<16xi32>
      %mul3A_349 = arith.constant 128 : i32
      %mul3A_350 = vector.broadcast %mul3A_349 : i32 to vector<16xi32>
      %mul3A_351 = arith.muli %add3A_348, %mul3A_350 : vector<16xi32>
      %mul3A_352 = arith.constant 16 : i32
      %mul3A_353 = arith.muli %scan3A_343, %mul3A_352 : i32
      %get3A_354 = arith.index_cast %mul3A_353 : i32 to index
      %get3A_355 = tpu.vector_load %arg6[%get3A_354] {strides = array<i32>} : memref<2048xi32, #tpu.memory_space<vmem>>, vector<16xi32>,
      %add3A_356 = arith.addi %mul3A_351, %get3A_355 : vector<16xi32>
      %mul3A_357 = arith.constant 16 : i32
      %mul3A_358 = arith.muli %scan3A_343, %mul3A_357 : i32
      %swap3A_359 = arith.index_cast %mul3A_358 : i32 to index
      %swap3A_360 = tpu.vector_load %arg7[%swap3A_359] {strides = array<i32>} : memref<2048xi32, #tpu.memory_space<vmem>>, vector<16xi32>,
      tpu.vector_store %arg7[%swap3A_359], %add3A_356 {strides = array<i32>} : memref<2048xi32, #tpu.memory_space<vmem>>, vector<16xi32>,
    }
    %scan3A_5 = arith.constant 128 : i32
    %dma_start3A = arith.constant 0 : i32
    %dma_start3A_6 = tpu.memref_slice %arg2[%dma_start3A] : memref<4194304xf32, #tpu.memory_space<hbm>> -> memref<4194304xf32, #tpu.memory_space<hbm>>
    tpu.enqueue_indirect_dma source(%dma_start3A_6 : memref<4194304xf32, #tpu.memory_space<hbm>>) target(%arg8 : memref<2048xf32, #tpu.memory_space<vmem>>) offsets(%arg7 : memref<2048xi32, #tpu.memory_space<vmem>>) semaphore(%arg14 : memref<!tpu.dma_semaphore, #tpu.memory_space<semaphore_mem>>)
    %broadcast_in_dim3A = arith.constant 0.000000e+00 : f32
    %broadcast_in_dim3A_7 = vector.broadcast %broadcast_in_dim3A : f32 to vector<16xf32>
    %swap3A = arith.constant 0 : index
    %swap3A_8 = tpu.vector_load %arg10[%swap3A] {strides = array<i32>} : memref<1024xf32, #tpu.memory_space<vmem>>, vector<16xf32>,
    tpu.vector_store %arg10[%swap3A], %broadcast_in_dim3A_7 {strides = array<i32>} : memref<1024xf32, #tpu.memory_space<vmem>>, vector<16xf32>,
    %swap3A_9 = arith.constant 16 : index
    %swap3A_10 = tpu.vector_load %arg10[%swap3A_9] {strides = array<i32>} : memref<1024xf32, #tpu.memory_space<vmem>>, vector<16xf32>,
    tpu.vector_store %arg10[%swap3A_9], %broadcast_in_dim3A_7 {strides = array<i32>} : memref<1024xf32, #tpu.memory_space<vmem>>, vector<16xf32>,
    %swap3A_11 = arith.constant 32 : index
    %swap3A_12 = tpu.vector_load %arg10[%swap3A_11] {strides = array<i32>} : memref<1024xf32, #tpu.memory_space<vmem>>, vector<16xf32>,
    tpu.vector_store %arg10[%swap3A_11], %broadcast_in_dim3A_7 {strides = array<i32>} : memref<1024xf32, #tpu.memory_space<vmem>>, vector<16xf32>,
    %swap3A_13 = arith.constant 48 : index
    %swap3A_14 = tpu.vector_load %arg10[%swap3A_13] {strides = array<i32>} : memref<1024xf32, #tpu.memory_space<vmem>>, vector<16xf32>,
    tpu.vector_store %arg10[%swap3A_13], %broadcast_in_dim3A_7 {strides = array<i32>} : memref<1024xf32, #tpu.memory_space<vmem>>, vector<16xf32>,
    %swap3A_15 = arith.constant 64 : index
    %swap3A_16 = tpu.vector_load %arg10[%swap3A_15] {strides = array<i32>} : memref<1024xf32, #tpu.memory_space<vmem>>, vector<16xf32>,
    tpu.vector_store %arg10[%swap3A_15], %broadcast_in_dim3A_7 {strides = array<i32>} : memref<1024xf32, #tpu.memory_space<vmem>>, vector<16xf32>,
    %swap3A_17 = arith.constant 80 : index
    %swap3A_18 = tpu.vector_load %arg10[%swap3A_17] {strides = array<i32>} : memref<1024xf32, #tpu.memory_space<vmem>>, vector<16xf32>,
    tpu.vector_store %arg10[%swap3A_17], %broadcast_in_dim3A_7 {strides = array<i32>} : memref<1024xf32, #tpu.memory_space<vmem>>, vector<16xf32>,
    %swap3A_19 = arith.constant 96 : index
    %swap3A_20 = tpu.vector_load %arg10[%swap3A_19] {strides = array<i32>} : memref<1024xf32, #tpu.memory_space<vmem>>, vector<16xf32>,
    tpu.vector_store %arg10[%swap3A_19], %broadcast_in_dim3A_7 {strides = array<i32>} : memref<1024xf32, #tpu.memory_space<vmem>>, vector<16xf32>,
    %swap3A_21 = arith.constant 112 : index
    %swap3A_22 = tpu.vector_load %arg10[%swap3A_21] {strides = array<i32>} : memref<1024xf32, #tpu.memory_space<vmem>>, vector<16xf32>,
    tpu.vector_store %arg10[%swap3A_21], %broadcast_in_dim3A_7 {strides = array<i32>} : memref<1024xf32, #tpu.memory_space<vmem>>, vector<16xf32>,
    %swap3A_23 = arith.constant 128 : index
    %swap3A_24 = tpu.vector_load %arg10[%swap3A_23] {strides = array<i32>} : memref<1024xf32, #tpu.memory_space<vmem>>, vector<16xf32>,
    tpu.vector_store %arg10[%swap3A_23], %broadcast_in_dim3A_7 {strides = array<i32>} : memref<1024xf32, #tpu.memory_space<vmem>>, vector<16xf32>,
    %swap3A_25 = arith.constant 144 : index
    %swap3A_26 = tpu.vector_load %arg10[%swap3A_25] {strides = array<i32>} : memref<1024xf32, #tpu.memory_space<vmem>>, vector<16xf32>,
    tpu.vector_store %arg10[%swap3A_25], %broadcast_in_dim3A_7 {strides = array<i32>} : memref<1024xf32, #tpu.memory_space<vmem>>, vector<16xf32>,
    %swap3A_27 = arith.constant 160 : index
    %swap3A_28 = tpu.vector_load %arg10[%swap3A_27] {strides = array<i32>} : memref<1024xf32, #tpu.memory_space<vmem>>, vector<16xf32>,
    tpu.vector_store %arg10[%swap3A_27], %broadcast_in_dim3A_7 {strides = array<i32>} : memref<1024xf32, #tpu.memory_space<vmem>>, vector<16xf32>,
    %swap3A_29 = arith.constant 176 : index
    %swap3A_30 = tpu.vector_load %arg10[%swap3A_29] {strides = array<i32>} : memref<1024xf32, #tpu.memory_space<vmem>>, vector<16xf32>,
    tpu.vector_store %arg10[%swap3A_29], %broadcast_in_dim3A_7 {strides = array<i32>} : memref<1024xf32, #tpu.memory_space<vmem>>, vector<16xf32>,
    %swap3A_31 = arith.constant 192 : index
    %swap3A_32 = tpu.vector_load %arg10[%swap3A_31] {strides = array<i32>} : memref<1024xf32, #tpu.memory_space<vmem>>, vector<16xf32>,
    tpu.vector_store %arg10[%swap3A_31], %broadcast_in_dim3A_7 {strides = array<i32>} : memref<1024xf32, #tpu.memory_space<vmem>>, vector<16xf32>,
    %swap3A_33 = arith.constant 208 : index
    %swap3A_34 = tpu.vector_load %arg10[%swap3A_33] {strides = array<i32>} : memref<1024xf32, #tpu.memory_space<vmem>>, vector<16xf32>,
    tpu.vector_store %arg10[%swap3A_33], %broadcast_in_dim3A_7 {strides = array<i32>} : memref<1024xf32, #tpu.memory_space<vmem>>, vector<16xf32>,
    %swap3A_35 = arith.constant 224 : index
    %swap3A_36 = tpu.vector_load %arg10[%swap3A_35] {strides = array<i32>} : memref<1024xf32, #tpu.memory_space<vmem>>, vector<16xf32>,
    tpu.vector_store %arg10[%swap3A_35], %broadcast_in_dim3A_7 {strides = array<i32>} : memref<1024xf32, #tpu.memory_space<vmem>>, vector<16xf32>,
    %swap3A_37 = arith.constant 240 : index
    %swap3A_38 = tpu.vector_load %arg10[%swap3A_37] {strides = array<i32>} : memref<1024xf32, #tpu.memory_space<vmem>>, vector<16xf32>,
    tpu.vector_store %arg10[%swap3A_37], %broadcast_in_dim3A_7 {strides = array<i32>} : memref<1024xf32, #tpu.memory_space<vmem>>, vector<16xf32>,
    %swap3A_39 = arith.constant 256 : index
    %swap3A_40 = tpu.vector_load %arg10[%swap3A_39] {strides = array<i32>} : memref<1024xf32, #tpu.memory_space<vmem>>, vector<16xf32>,
    tpu.vector_store %arg10[%swap3A_39], %broadcast_in_dim3A_7 {strides = array<i32>} : memref<1024xf32, #tpu.memory_space<vmem>>, vector<16xf32>,
    %swap3A_41 = arith.constant 272 : index
    %swap3A_42 = tpu.vector_load %arg10[%swap3A_41] {strides = array<i32>} : memref<1024xf32, #tpu.memory_space<vmem>>, vector<16xf32>,
    tpu.vector_store %arg10[%swap3A_41], %broadcast_in_dim3A_7 {strides = array<i32>} : memref<1024xf32, #tpu.memory_space<vmem>>, vector<16xf32>,
    %swap3A_43 = arith.constant 288 : index
    %swap3A_44 = tpu.vector_load %arg10[%swap3A_43] {strides = array<i32>} : memref<1024xf32, #tpu.memory_space<vmem>>, vector<16xf32>,
    tpu.vector_store %arg10[%swap3A_43], %broadcast_in_dim3A_7 {strides = array<i32>} : memref<1024xf32, #tpu.memory_space<vmem>>, vector<16xf32>,
    %swap3A_45 = arith.constant 304 : index
    %swap3A_46 = tpu.vector_load %arg10[%swap3A_45] {strides = array<i32>} : memref<1024xf32, #tpu.memory_space<vmem>>, vector<16xf32>,
    tpu.vector_store %arg10[%swap3A_45], %broadcast_in_dim3A_7 {strides = array<i32>} : memref<1024xf32, #tpu.memory_space<vmem>>, vector<16xf32>,
    %swap3A_47 = arith.constant 320 : index
    %swap3A_48 = tpu.vector_load %arg10[%swap3A_47] {strides = array<i32>} : memref<1024xf32, #tpu.memory_space<vmem>>, vector<16xf32>,
    tpu.vector_store %arg10[%swap3A_47], %broadcast_in_dim3A_7 {strides = array<i32>} : memref<1024xf32, #tpu.memory_space<vmem>>, vector<16xf32>,
    %swap3A_49 = arith.constant 336 : index
    %swap3A_50 = tpu.vector_load %arg10[%swap3A_49] {strides = array<i32>} : memref<1024xf32, #tpu.memory_space<vmem>>, vector<16xf32>,
    tpu.vector_store %arg10[%swap3A_49], %broadcast_in_dim3A_7 {strides = array<i32>} : memref<1024xf32, #tpu.memory_space<vmem>>, vector<16xf32>,
    %swap3A_51 = arith.constant 352 : index
    %swap3A_52 = tpu.vector_load %arg10[%swap3A_51] {strides = array<i32>} : memref<1024xf32, #tpu.memory_space<vmem>>, vector<16xf32>,
    tpu.vector_store %arg10[%swap3A_51], %broadcast_in_dim3A_7 {strides = array<i32>} : memref<1024xf32, #tpu.memory_space<vmem>>, vector<16xf32>,
    %swap3A_53 = arith.constant 368 : index
    %swap3A_54 = tpu.vector_load %arg10[%swap3A_53] {strides = array<i32>} : memref<1024xf32, #tpu.memory_space<vmem>>, vector<16xf32>,
    tpu.vector_store %arg10[%swap3A_53], %broadcast_in_dim3A_7 {strides = array<i32>} : memref<1024xf32, #tpu.memory_space<vmem>>, vector<16xf32>,
    %swap3A_55 = arith.constant 384 : index
    %swap3A_56 = tpu.vector_load %arg10[%swap3A_55] {strides = array<i32>} : memref<1024xf32, #tpu.memory_space<vmem>>, vector<16xf32>,
    tpu.vector_store %arg10[%swap3A_55], %broadcast_in_dim3A_7 {strides = array<i32>} : memref<1024xf32, #tpu.memory_space<vmem>>, vector<16xf32>,
    %swap3A_57 = arith.constant 400 : index
    %swap3A_58 = tpu.vector_load %arg10[%swap3A_57] {strides = array<i32>} : memref<1024xf32, #tpu.memory_space<vmem>>, vector<16xf32>,
    tpu.vector_store %arg10[%swap3A_57], %broadcast_in_dim3A_7 {strides = array<i32>} : memref<1024xf32, #tpu.memory_space<vmem>>, vector<16xf32>,
    %swap3A_59 = arith.constant 416 : index
    %swap3A_60 = tpu.vector_load %arg10[%swap3A_59] {strides = array<i32>} : memref<1024xf32, #tpu.memory_space<vmem>>, vector<16xf32>,
    tpu.vector_store %arg10[%swap3A_59], %broadcast_in_dim3A_7 {strides = array<i32>} : memref<1024xf32, #tpu.memory_space<vmem>>, vector<16xf32>,
    %swap3A_61 = arith.constant 432 : index
    %swap3A_62 = tpu.vector_load %arg10[%swap3A_61] {strides = array<i32>} : memref<1024xf32, #tpu.memory_space<vmem>>, vector<16xf32>,
    tpu.vector_store %arg10[%swap3A_61], %broadcast_in_dim3A_7 {strides = array<i32>} : memref<1024xf32, #tpu.memory_space<vmem>>, vector<16xf32>,
    %swap3A_63 = arith.constant 448 : index
    %swap3A_64 = tpu.vector_load %arg10[%swap3A_63] {strides = array<i32>} : memref<1024xf32, #tpu.memory_space<vmem>>, vector<16xf32>,
    tpu.vector_store %arg10[%swap3A_63], %broadcast_in_dim3A_7 {strides = array<i32>} : memref<1024xf32, #tpu.memory_space<vmem>>, vector<16xf32>,
    %swap3A_65 = arith.constant 464 : index
    %swap3A_66 = tpu.vector_load %arg10[%swap3A_65] {strides = array<i32>} : memref<1024xf32, #tpu.memory_space<vmem>>, vector<16xf32>,
    tpu.vector_store %arg10[%swap3A_65], %broadcast_in_dim3A_7 {strides = array<i32>} : memref<1024xf32, #tpu.memory_space<vmem>>, vector<16xf32>,
    %swap3A_67 = arith.constant 480 : index
    %swap3A_68 = tpu.vector_load %arg10[%swap3A_67] {strides = array<i32>} : memref<1024xf32, #tpu.memory_space<vmem>>, vector<16xf32>,
    tpu.vector_store %arg10[%swap3A_67], %broadcast_in_dim3A_7 {strides = array<i32>} : memref<1024xf32, #tpu.memory_space<vmem>>, vector<16xf32>,
    %swap3A_69 = arith.constant 496 : index
    %swap3A_70 = tpu.vector_load %arg10[%swap3A_69] {strides = array<i32>} : memref<1024xf32, #tpu.memory_space<vmem>>, vector<16xf32>,
    tpu.vector_store %arg10[%swap3A_69], %broadcast_in_dim3A_7 {strides = array<i32>} : memref<1024xf32, #tpu.memory_space<vmem>>, vector<16xf32>,
    %swap3A_71 = arith.constant 512 : index
    %swap3A_72 = tpu.vector_load %arg10[%swap3A_71] {strides = array<i32>} : memref<1024xf32, #tpu.memory_space<vmem>>, vector<16xf32>,
    tpu.vector_store %arg10[%swap3A_71], %broadcast_in_dim3A_7 {strides = array<i32>} : memref<1024xf32, #tpu.memory_space<vmem>>, vector<16xf32>,
    %swap3A_73 = arith.constant 528 : index
    %swap3A_74 = tpu.vector_load %arg10[%swap3A_73] {strides = array<i32>} : memref<1024xf32, #tpu.memory_space<vmem>>, vector<16xf32>,
    tpu.vector_store %arg10[%swap3A_73], %broadcast_in_dim3A_7 {strides = array<i32>} : memref<1024xf32, #tpu.memory_space<vmem>>, vector<16xf32>,
    %swap3A_75 = arith.constant 544 : index
    %swap3A_76 = tpu.vector_load %arg10[%swap3A_75] {strides = array<i32>} : memref<1024xf32, #tpu.memory_space<vmem>>, vector<16xf32>,
    tpu.vector_store %arg10[%swap3A_75], %broadcast_in_dim3A_7 {strides = array<i32>} : memref<1024xf32, #tpu.memory_space<vmem>>, vector<16xf32>,
    %swap3A_77 = arith.constant 560 : index
    %swap3A_78 = tpu.vector_load %arg10[%swap3A_77] {strides = array<i32>} : memref<1024xf32, #tpu.memory_space<vmem>>, vector<16xf32>,
    tpu.vector_store %arg10[%swap3A_77], %broadcast_in_dim3A_7 {strides = array<i32>} : memref<1024xf32, #tpu.memory_space<vmem>>, vector<16xf32>,
    %swap3A_79 = arith.constant 576 : index
    %swap3A_80 = tpu.vector_load %arg10[%swap3A_79] {strides = array<i32>} : memref<1024xf32, #tpu.memory_space<vmem>>, vector<16xf32>,
    tpu.vector_store %arg10[%swap3A_79], %broadcast_in_dim3A_7 {strides = array<i32>} : memref<1024xf32, #tpu.memory_space<vmem>>, vector<16xf32>,
    %swap3A_81 = arith.constant 592 : index
    %swap3A_82 = tpu.vector_load %arg10[%swap3A_81] {strides = array<i32>} : memref<1024xf32, #tpu.memory_space<vmem>>, vector<16xf32>,
    tpu.vector_store %arg10[%swap3A_81], %broadcast_in_dim3A_7 {strides = array<i32>} : memref<1024xf32, #tpu.memory_space<vmem>>, vector<16xf32>,
    %swap3A_83 = arith.constant 608 : index
    %swap3A_84 = tpu.vector_load %arg10[%swap3A_83] {strides = array<i32>} : memref<1024xf32, #tpu.memory_space<vmem>>, vector<16xf32>,
    tpu.vector_store %arg10[%swap3A_83], %broadcast_in_dim3A_7 {strides = array<i32>} : memref<1024xf32, #tpu.memory_space<vmem>>, vector<16xf32>,
    %swap3A_85 = arith.constant 624 : index
    %swap3A_86 = tpu.vector_load %arg10[%swap3A_85] {strides = array<i32>} : memref<1024xf32, #tpu.memory_space<vmem>>, vector<16xf32>,
    tpu.vector_store %arg10[%swap3A_85], %broadcast_in_dim3A_7 {strides = array<i32>} : memref<1024xf32, #tpu.memory_space<vmem>>, vector<16xf32>,
    %swap3A_87 = arith.constant 640 : index
    %swap3A_88 = tpu.vector_load %arg10[%swap3A_87] {strides = array<i32>} : memref<1024xf32, #tpu.memory_space<vmem>>, vector<16xf32>,
    tpu.vector_store %arg10[%swap3A_87], %broadcast_in_dim3A_7 {strides = array<i32>} : memref<1024xf32, #tpu.memory_space<vmem>>, vector<16xf32>,
    %swap3A_89 = arith.constant 656 : index
    %swap3A_90 = tpu.vector_load %arg10[%swap3A_89] {strides = array<i32>} : memref<1024xf32, #tpu.memory_space<vmem>>, vector<16xf32>,
    tpu.vector_store %arg10[%swap3A_89], %broadcast_in_dim3A_7 {strides = array<i32>} : memref<1024xf32, #tpu.memory_space<vmem>>, vector<16xf32>,
    %swap3A_91 = arith.constant 672 : index
    %swap3A_92 = tpu.vector_load %arg10[%swap3A_91] {strides = array<i32>} : memref<1024xf32, #tpu.memory_space<vmem>>, vector<16xf32>,
    tpu.vector_store %arg10[%swap3A_91], %broadcast_in_dim3A_7 {strides = array<i32>} : memref<1024xf32, #tpu.memory_space<vmem>>, vector<16xf32>,
    %swap3A_93 = arith.constant 688 : index
    %swap3A_94 = tpu.vector_load %arg10[%swap3A_93] {strides = array<i32>} : memref<1024xf32, #tpu.memory_space<vmem>>, vector<16xf32>,
    tpu.vector_store %arg10[%swap3A_93], %broadcast_in_dim3A_7 {strides = array<i32>} : memref<1024xf32, #tpu.memory_space<vmem>>, vector<16xf32>,
    %swap3A_95 = arith.constant 704 : index
    %swap3A_96 = tpu.vector_load %arg10[%swap3A_95] {strides = array<i32>} : memref<1024xf32, #tpu.memory_space<vmem>>, vector<16xf32>,
    tpu.vector_store %arg10[%swap3A_95], %broadcast_in_dim3A_7 {strides = array<i32>} : memref<1024xf32, #tpu.memory_space<vmem>>, vector<16xf32>,
    %swap3A_97 = arith.constant 720 : index
    %swap3A_98 = tpu.vector_load %arg10[%swap3A_97] {strides = array<i32>} : memref<1024xf32, #tpu.memory_space<vmem>>, vector<16xf32>,
    tpu.vector_store %arg10[%swap3A_97], %broadcast_in_dim3A_7 {strides = array<i32>} : memref<1024xf32, #tpu.memory_space<vmem>>, vector<16xf32>,
    %swap3A_99 = arith.constant 736 : index
    %swap3A_100 = tpu.vector_load %arg10[%swap3A_99] {strides = array<i32>} : memref<1024xf32, #tpu.memory_space<vmem>>, vector<16xf32>,
    tpu.vector_store %arg10[%swap3A_99], %broadcast_in_dim3A_7 {strides = array<i32>} : memref<1024xf32, #tpu.memory_space<vmem>>, vector<16xf32>,
    %swap3A_101 = arith.constant 752 : index
    %swap3A_102 = tpu.vector_load %arg10[%swap3A_101] {strides = array<i32>} : memref<1024xf32, #tpu.memory_space<vmem>>, vector<16xf32>,
    tpu.vector_store %arg10[%swap3A_101], %broadcast_in_dim3A_7 {strides = array<i32>} : memref<1024xf32, #tpu.memory_space<vmem>>, vector<16xf32>,
    %swap3A_103 = arith.constant 768 : index
    %swap3A_104 = tpu.vector_load %arg10[%swap3A_103] {strides = array<i32>} : memref<1024xf32, #tpu.memory_space<vmem>>, vector<16xf32>,
    tpu.vector_store %arg10[%swap3A_103], %broadcast_in_dim3A_7 {strides = array<i32>} : memref<1024xf32, #tpu.memory_space<vmem>>, vector<16xf32>,
    %swap3A_105 = arith.constant 784 : index
    %swap3A_106 = tpu.vector_load %arg10[%swap3A_105] {strides = array<i32>} : memref<1024xf32, #tpu.memory_space<vmem>>, vector<16xf32>,
    tpu.vector_store %arg10[%swap3A_105], %broadcast_in_dim3A_7 {strides = array<i32>} : memref<1024xf32, #tpu.memory_space<vmem>>, vector<16xf32>,
    %swap3A_107 = arith.constant 800 : index
    %swap3A_108 = tpu.vector_load %arg10[%swap3A_107] {strides = array<i32>} : memref<1024xf32, #tpu.memory_space<vmem>>, vector<16xf32>,
    tpu.vector_store %arg10[%swap3A_107], %broadcast_in_dim3A_7 {strides = array<i32>} : memref<1024xf32, #tpu.memory_space<vmem>>, vector<16xf32>,
    %swap3A_109 = arith.constant 816 : index
    %swap3A_110 = tpu.vector_load %arg10[%swap3A_109] {strides = array<i32>} : memref<1024xf32, #tpu.memory_space<vmem>>, vector<16xf32>,
    tpu.vector_store %arg10[%swap3A_109], %broadcast_in_dim3A_7 {strides = array<i32>} : memref<1024xf32, #tpu.memory_space<vmem>>, vector<16xf32>,
    %swap3A_111 = arith.constant 832 : index
    %swap3A_112 = tpu.vector_load %arg10[%swap3A_111] {strides = array<i32>} : memref<1024xf32, #tpu.memory_space<vmem>>, vector<16xf32>,
    tpu.vector_store %arg10[%swap3A_111], %broadcast_in_dim3A_7 {strides = array<i32>} : memref<1024xf32, #tpu.memory_space<vmem>>, vector<16xf32>,
    %swap3A_113 = arith.constant 848 : index
    %swap3A_114 = tpu.vector_load %arg10[%swap3A_113] {strides = array<i32>} : memref<1024xf32, #tpu.memory_space<vmem>>, vector<16xf32>,
    tpu.vector_store %arg10[%swap3A_113], %broadcast_in_dim3A_7 {strides = array<i32>} : memref<1024xf32, #tpu.memory_space<vmem>>, vector<16xf32>,
    %swap3A_115 = arith.constant 864 : index
    %swap3A_116 = tpu.vector_load %arg10[%swap3A_115] {strides = array<i32>} : memref<1024xf32, #tpu.memory_space<vmem>>, vector<16xf32>,
    tpu.vector_store %arg10[%swap3A_115], %broadcast_in_dim3A_7 {strides = array<i32>} : memref<1024xf32, #tpu.memory_space<vmem>>, vector<16xf32>,
    %swap3A_117 = arith.constant 880 : index
    %swap3A_118 = tpu.vector_load %arg10[%swap3A_117] {strides = array<i32>} : memref<1024xf32, #tpu.memory_space<vmem>>, vector<16xf32>,
    tpu.vector_store %arg10[%swap3A_117], %broadcast_in_dim3A_7 {strides = array<i32>} : memref<1024xf32, #tpu.memory_space<vmem>>, vector<16xf32>,
    %swap3A_119 = arith.constant 896 : index
    %swap3A_120 = tpu.vector_load %arg10[%swap3A_119] {strides = array<i32>} : memref<1024xf32, #tpu.memory_space<vmem>>, vector<16xf32>,
    tpu.vector_store %arg10[%swap3A_119], %broadcast_in_dim3A_7 {strides = array<i32>} : memref<1024xf32, #tpu.memory_space<vmem>>, vector<16xf32>,
    %swap3A_121 = arith.constant 912 : index
    %swap3A_122 = tpu.vector_load %arg10[%swap3A_121] {strides = array<i32>} : memref<1024xf32, #tpu.memory_space<vmem>>, vector<16xf32>,
    tpu.vector_store %arg10[%swap3A_121], %broadcast_in_dim3A_7 {strides = array<i32>} : memref<1024xf32, #tpu.memory_space<vmem>>, vector<16xf32>,
    %swap3A_123 = arith.constant 928 : index
    %swap3A_124 = tpu.vector_load %arg10[%swap3A_123] {strides = array<i32>} : memref<1024xf32, #tpu.memory_space<vmem>>, vector<16xf32>,
    tpu.vector_store %arg10[%swap3A_123], %broadcast_in_dim3A_7 {strides = array<i32>} : memref<1024xf32, #tpu.memory_space<vmem>>, vector<16xf32>,
    %swap3A_125 = arith.constant 944 : index
    %swap3A_126 = tpu.vector_load %arg10[%swap3A_125] {strides = array<i32>} : memref<1024xf32, #tpu.memory_space<vmem>>, vector<16xf32>,
    tpu.vector_store %arg10[%swap3A_125], %broadcast_in_dim3A_7 {strides = array<i32>} : memref<1024xf32, #tpu.memory_space<vmem>>, vector<16xf32>,
    %swap3A_127 = arith.constant 960 : index
    %swap3A_128 = tpu.vector_load %arg10[%swap3A_127] {strides = array<i32>} : memref<1024xf32, #tpu.memory_space<vmem>>, vector<16xf32>,
    tpu.vector_store %arg10[%swap3A_127], %broadcast_in_dim3A_7 {strides = array<i32>} : memref<1024xf32, #tpu.memory_space<vmem>>, vector<16xf32>,
    %swap3A_129 = arith.constant 976 : index
    %swap3A_130 = tpu.vector_load %arg10[%swap3A_129] {strides = array<i32>} : memref<1024xf32, #tpu.memory_space<vmem>>, vector<16xf32>,
    tpu.vector_store %arg10[%swap3A_129], %broadcast_in_dim3A_7 {strides = array<i32>} : memref<1024xf32, #tpu.memory_space<vmem>>, vector<16xf32>,
    %swap3A_131 = arith.constant 992 : index
    %swap3A_132 = tpu.vector_load %arg10[%swap3A_131] {strides = array<i32>} : memref<1024xf32, #tpu.memory_space<vmem>>, vector<16xf32>,
    tpu.vector_store %arg10[%swap3A_131], %broadcast_in_dim3A_7 {strides = array<i32>} : memref<1024xf32, #tpu.memory_space<vmem>>, vector<16xf32>,
    %swap3A_133 = arith.constant 1008 : index
    %swap3A_134 = tpu.vector_load %arg10[%swap3A_133] {strides = array<i32>} : memref<1024xf32, #tpu.memory_space<vmem>>, vector<16xf32>,
    tpu.vector_store %arg10[%swap3A_133], %broadcast_in_dim3A_7 {strides = array<i32>} : memref<1024xf32, #tpu.memory_space<vmem>>, vector<16xf32>,
    %dma_wait3A = arith.constant 0 : i32
    %dma_wait3A_135 = tpu.memref_slice %arg2[%dma_wait3A] : memref<4194304xf32, #tpu.memory_space<hbm>> -> memref<4194304xf32, #tpu.memory_space<hbm>>
    tpu.wait_indirect_dma semaphore(%arg14 : memref<!tpu.dma_semaphore, #tpu.memory_space<semaphore_mem>>) src(%dma_wait3A_135 : memref<4194304xf32, #tpu.memory_space<hbm>>) dst(%arg8 : memref<2048xf32, #tpu.memory_space<vmem>>)
    %mul3A_136 = arith.constant 64 : i32
    %mul3A_137 = vector.broadcast %mul3A_136 : i32 to vector<16xi32>
    %mul3A_138 = arith.muli %iota3A, %mul3A_137 : vector<16xi32>
    %scan3A_139 = arith.constant 0 : i32
    %scan3A_140 = arith.constant 0 : i32
    %scan3A_141 = arith.constant 128 : i32
    %scan3A_142 = arith.addi %scan3A_140, %scan3A_141 : i32
    %scan3A_143 = arith.constant 1 : i32
    scf.for %scan3A_343 = %scan3A_140 to %scan3A_142 step %scan3A_143  : i32 {
      %mul3A_344 = arith.constant 16 : i32
      %mul3A_345 = arith.muli %scan3A_343, %mul3A_344 : i32
      %get3A_346 = arith.index_cast %mul3A_345 : i32 to index
      %get3A_347 = tpu.vector_load %arg8[%get3A_346] {strides = array<i32>} : memref<2048xf32, #tpu.memory_space<vmem>>, vector<16xf32>,
      %mul3A_348 = arith.constant 16 : i32
      %mul3A_349 = arith.muli %scan3A_343, %mul3A_348 : i32
      %get3A_350 = arith.index_cast %mul3A_349 : i32 to index
      %get3A_351 = tpu.vector_load %arg9[%get3A_350] {strides = array<i32>} : memref<2048xi32, #tpu.memory_space<vmem>>, vector<16xi32>,
      %add3A_352 = arith.addi %mul3A_138, %get3A_351 : vector<16xi32>
      tpu.vector_store_idx %arg10[%add3A_352], %get3A_347 {add = true} : memref<1024xf32, #tpu.memory_space<vmem>>[vector<16xi32>], vector<16xf32>,
    }
    %scan3A_144 = arith.constant 128 : i32
    %get3A = arith.constant 0 : index
    %get3A_145 = tpu.vector_load %arg10[%get3A] {strides = array<i32>} : memref<1024xf32, #tpu.memory_space<vmem>>, vector<16xf32>,
    %get3A_146 = arith.constant 64 : index
    %get3A_147 = tpu.vector_load %arg10[%get3A_146] {strides = array<i32>} : memref<1024xf32, #tpu.memory_space<vmem>>, vector<16xf32>,
    %add3A = arith.addf %get3A_145, %get3A_147 : vector<16xf32>
    %get3A_148 = arith.constant 128 : index
    %get3A_149 = tpu.vector_load %arg10[%get3A_148] {strides = array<i32>} : memref<1024xf32, #tpu.memory_space<vmem>>, vector<16xf32>,
    %add3A_150 = arith.addf %add3A, %get3A_149 : vector<16xf32>
    %get3A_151 = arith.constant 192 : index
    %get3A_152 = tpu.vector_load %arg10[%get3A_151] {strides = array<i32>} : memref<1024xf32, #tpu.memory_space<vmem>>, vector<16xf32>,
    %add3A_153 = arith.addf %add3A_150, %get3A_152 : vector<16xf32>
    %get3A_154 = arith.constant 256 : index
    %get3A_155 = tpu.vector_load %arg10[%get3A_154] {strides = array<i32>} : memref<1024xf32, #tpu.memory_space<vmem>>, vector<16xf32>,
    %add3A_156 = arith.addf %add3A_153, %get3A_155 : vector<16xf32>
    %get3A_157 = arith.constant 320 : index
    %get3A_158 = tpu.vector_load %arg10[%get3A_157] {strides = array<i32>} : memref<1024xf32, #tpu.memory_space<vmem>>, vector<16xf32>,
    %add3A_159 = arith.addf %add3A_156, %get3A_158 : vector<16xf32>
    %get3A_160 = arith.constant 384 : index
    %get3A_161 = tpu.vector_load %arg10[%get3A_160] {strides = array<i32>} : memref<1024xf32, #tpu.memory_space<vmem>>, vector<16xf32>,
    %add3A_162 = arith.addf %add3A_159, %get3A_161 : vector<16xf32>
    %get3A_163 = arith.constant 448 : index
    %get3A_164 = tpu.vector_load %arg10[%get3A_163] {strides = array<i32>} : memref<1024xf32, #tpu.memory_space<vmem>>, vector<16xf32>,
    %add3A_165 = arith.addf %add3A_162, %get3A_164 : vector<16xf32>
    %get3A_166 = arith.constant 512 : index
    %get3A_167 = tpu.vector_load %arg10[%get3A_166] {strides = array<i32>} : memref<1024xf32, #tpu.memory_space<vmem>>, vector<16xf32>,
    %add3A_168 = arith.addf %add3A_165, %get3A_167 : vector<16xf32>
    %get3A_169 = arith.constant 576 : index
    %get3A_170 = tpu.vector_load %arg10[%get3A_169] {strides = array<i32>} : memref<1024xf32, #tpu.memory_space<vmem>>, vector<16xf32>,
    %add3A_171 = arith.addf %add3A_168, %get3A_170 : vector<16xf32>
    %get3A_172 = arith.constant 640 : index
    %get3A_173 = tpu.vector_load %arg10[%get3A_172] {strides = array<i32>} : memref<1024xf32, #tpu.memory_space<vmem>>, vector<16xf32>,
    %add3A_174 = arith.addf %add3A_171, %get3A_173 : vector<16xf32>
    %get3A_175 = arith.constant 704 : index
    %get3A_176 = tpu.vector_load %arg10[%get3A_175] {strides = array<i32>} : memref<1024xf32, #tpu.memory_space<vmem>>, vector<16xf32>,
    %add3A_177 = arith.addf %add3A_174, %get3A_176 : vector<16xf32>
    %get3A_178 = arith.constant 768 : index
    %get3A_179 = tpu.vector_load %arg10[%get3A_178] {strides = array<i32>} : memref<1024xf32, #tpu.memory_space<vmem>>, vector<16xf32>,
    %add3A_180 = arith.addf %add3A_177, %get3A_179 : vector<16xf32>
    %get3A_181 = arith.constant 832 : index
    %get3A_182 = tpu.vector_load %arg10[%get3A_181] {strides = array<i32>} : memref<1024xf32, #tpu.memory_space<vmem>>, vector<16xf32>,
    %add3A_183 = arith.addf %add3A_180, %get3A_182 : vector<16xf32>
    %get3A_184 = arith.constant 896 : index
    %get3A_185 = tpu.vector_load %arg10[%get3A_184] {strides = array<i32>} : memref<1024xf32, #tpu.memory_space<vmem>>, vector<16xf32>,
    %add3A_186 = arith.addf %add3A_183, %get3A_185 : vector<16xf32>
    %get3A_187 = arith.constant 960 : index
    %get3A_188 = tpu.vector_load %arg10[%get3A_187] {strides = array<i32>} : memref<1024xf32, #tpu.memory_space<vmem>>, vector<16xf32>,
    %add3A_189 = arith.addf %add3A_186, %get3A_188 : vector<16xf32>
    %swap3A_190 = arith.constant 0 : index
    %swap3A_191 = tpu.vector_load %arg11[%swap3A_190] {strides = array<i32>} : memref<64xf32, #tpu.memory_space<vmem>>, vector<16xf32>,
    tpu.vector_store %arg11[%swap3A_190], %add3A_189 {strides = array<i32>} : memref<64xf32, #tpu.memory_space<vmem>>, vector<16xf32>,
    %get3A_192 = arith.constant 16 : index
    %get3A_193 = tpu.vector_load %arg10[%get3A_192] {strides = array<i32>} : memref<1024xf32, #tpu.memory_space<vmem>>, vector<16xf32>,
    %get3A_194 = arith.constant 80 : index
    %get3A_195 = tpu.vector_load %arg10[%get3A_194] {strides = array<i32>} : memref<1024xf32, #tpu.memory_space<vmem>>, vector<16xf32>,
    %add3A_196 = arith.addf %get3A_193, %get3A_195 : vector<16xf32>
    %get3A_197 = arith.constant 144 : index
    %get3A_198 = tpu.vector_load %arg10[%get3A_197] {strides = array<i32>} : memref<1024xf32, #tpu.memory_space<vmem>>, vector<16xf32>,
    %add3A_199 = arith.addf %add3A_196, %get3A_198 : vector<16xf32>
    %get3A_200 = arith.constant 208 : index
    %get3A_201 = tpu.vector_load %arg10[%get3A_200] {strides = array<i32>} : memref<1024xf32, #tpu.memory_space<vmem>>, vector<16xf32>,
    %add3A_202 = arith.addf %add3A_199, %get3A_201 : vector<16xf32>
    %get3A_203 = arith.constant 272 : index
    %get3A_204 = tpu.vector_load %arg10[%get3A_203] {strides = array<i32>} : memref<1024xf32, #tpu.memory_space<vmem>>, vector<16xf32>,
    %add3A_205 = arith.addf %add3A_202, %get3A_204 : vector<16xf32>
    %get3A_206 = arith.constant 336 : index
    %get3A_207 = tpu.vector_load %arg10[%get3A_206] {strides = array<i32>} : memref<1024xf32, #tpu.memory_space<vmem>>, vector<16xf32>,
    %add3A_208 = arith.addf %add3A_205, %get3A_207 : vector<16xf32>
    %get3A_209 = arith.constant 400 : index
    %get3A_210 = tpu.vector_load %arg10[%get3A_209] {strides = array<i32>} : memref<1024xf32, #tpu.memory_space<vmem>>, vector<16xf32>,
    %add3A_211 = arith.addf %add3A_208, %get3A_210 : vector<16xf32>
    %get3A_212 = arith.constant 464 : index
    %get3A_213 = tpu.vector_load %arg10[%get3A_212] {strides = array<i32>} : memref<1024xf32, #tpu.memory_space<vmem>>, vector<16xf32>,
    %add3A_214 = arith.addf %add3A_211, %get3A_213 : vector<16xf32>
    %get3A_215 = arith.constant 528 : index
    %get3A_216 = tpu.vector_load %arg10[%get3A_215] {strides = array<i32>} : memref<1024xf32, #tpu.memory_space<vmem>>, vector<16xf32>,
    %add3A_217 = arith.addf %add3A_214, %get3A_216 : vector<16xf32>
    %get3A_218 = arith.constant 592 : index
    %get3A_219 = tpu.vector_load %arg10[%get3A_218] {strides = array<i32>} : memref<1024xf32, #tpu.memory_space<vmem>>, vector<16xf32>,
    %add3A_220 = arith.addf %add3A_217, %get3A_219 : vector<16xf32>
    %get3A_221 = arith.constant 656 : index
    %get3A_222 = tpu.vector_load %arg10[%get3A_221] {strides = array<i32>} : memref<1024xf32, #tpu.memory_space<vmem>>, vector<16xf32>,
    %add3A_223 = arith.addf %add3A_220, %get3A_222 : vector<16xf32>
    %get3A_224 = arith.constant 720 : index
    %get3A_225 = tpu.vector_load %arg10[%get3A_224] {strides = array<i32>} : memref<1024xf32, #tpu.memory_space<vmem>>, vector<16xf32>,
    %add3A_226 = arith.addf %add3A_223, %get3A_225 : vector<16xf32>
    %get3A_227 = arith.constant 784 : index
    %get3A_228 = tpu.vector_load %arg10[%get3A_227] {strides = array<i32>} : memref<1024xf32, #tpu.memory_space<vmem>>, vector<16xf32>,
    %add3A_229 = arith.addf %add3A_226, %get3A_228 : vector<16xf32>
    %get3A_230 = arith.constant 848 : index
    %get3A_231 = tpu.vector_load %arg10[%get3A_230] {strides = array<i32>} : memref<1024xf32, #tpu.memory_space<vmem>>, vector<16xf32>,
    %add3A_232 = arith.addf %add3A_229, %get3A_231 : vector<16xf32>
    %get3A_233 = arith.constant 912 : index
    %get3A_234 = tpu.vector_load %arg10[%get3A_233] {strides = array<i32>} : memref<1024xf32, #tpu.memory_space<vmem>>, vector<16xf32>,
    %add3A_235 = arith.addf %add3A_232, %get3A_234 : vector<16xf32>
    %get3A_236 = arith.constant 976 : index
    %get3A_237 = tpu.vector_load %arg10[%get3A_236] {strides = array<i32>} : memref<1024xf32, #tpu.memory_space<vmem>>, vector<16xf32>,
    %add3A_238 = arith.addf %add3A_235, %get3A_237 : vector<16xf32>
    %swap3A_239 = arith.constant 16 : index
    %swap3A_240 = tpu.vector_load %arg11[%swap3A_239] {strides = array<i32>} : memref<64xf32, #tpu.memory_space<vmem>>, vector<16xf32>,
    tpu.vector_store %arg11[%swap3A_239], %add3A_238 {strides = array<i32>} : memref<64xf32, #tpu.memory_space<vmem>>, vector<16xf32>,
    %get3A_241 = arith.constant 32 : index
    %get3A_242 = tpu.vector_load %arg10[%get3A_241] {strides = array<i32>} : memref<1024xf32, #tpu.memory_space<vmem>>, vector<16xf32>,
    %get3A_243 = arith.constant 96 : index
    %get3A_244 = tpu.vector_load %arg10[%get3A_243] {strides = array<i32>} : memref<1024xf32, #tpu.memory_space<vmem>>, vector<16xf32>,
    %add3A_245 = arith.addf %get3A_242, %get3A_244 : vector<16xf32>
    %get3A_246 = arith.constant 160 : index
    %get3A_247 = tpu.vector_load %arg10[%get3A_246] {strides = array<i32>} : memref<1024xf32, #tpu.memory_space<vmem>>, vector<16xf32>,
    %add3A_248 = arith.addf %add3A_245, %get3A_247 : vector<16xf32>
    %get3A_249 = arith.constant 224 : index
    %get3A_250 = tpu.vector_load %arg10[%get3A_249] {strides = array<i32>} : memref<1024xf32, #tpu.memory_space<vmem>>, vector<16xf32>,
    %add3A_251 = arith.addf %add3A_248, %get3A_250 : vector<16xf32>
    %get3A_252 = arith.constant 288 : index
    %get3A_253 = tpu.vector_load %arg10[%get3A_252] {strides = array<i32>} : memref<1024xf32, #tpu.memory_space<vmem>>, vector<16xf32>,
    %add3A_254 = arith.addf %add3A_251, %get3A_253 : vector<16xf32>
    %get3A_255 = arith.constant 352 : index
    %get3A_256 = tpu.vector_load %arg10[%get3A_255] {strides = array<i32>} : memref<1024xf32, #tpu.memory_space<vmem>>, vector<16xf32>,
    %add3A_257 = arith.addf %add3A_254, %get3A_256 : vector<16xf32>
    %get3A_258 = arith.constant 416 : index
    %get3A_259 = tpu.vector_load %arg10[%get3A_258] {strides = array<i32>} : memref<1024xf32, #tpu.memory_space<vmem>>, vector<16xf32>,
    %add3A_260 = arith.addf %add3A_257, %get3A_259 : vector<16xf32>
    %get3A_261 = arith.constant 480 : index
    %get3A_262 = tpu.vector_load %arg10[%get3A_261] {strides = array<i32>} : memref<1024xf32, #tpu.memory_space<vmem>>, vector<16xf32>,
    %add3A_263 = arith.addf %add3A_260, %get3A_262 : vector<16xf32>
    %get3A_264 = arith.constant 544 : index
    %get3A_265 = tpu.vector_load %arg10[%get3A_264] {strides = array<i32>} : memref<1024xf32, #tpu.memory_space<vmem>>, vector<16xf32>,
    %add3A_266 = arith.addf %add3A_263, %get3A_265 : vector<16xf32>
    %get3A_267 = arith.constant 608 : index
    %get3A_268 = tpu.vector_load %arg10[%get3A_267] {strides = array<i32>} : memref<1024xf32, #tpu.memory_space<vmem>>, vector<16xf32>,
    %add3A_269 = arith.addf %add3A_266, %get3A_268 : vector<16xf32>
    %get3A_270 = arith.constant 672 : index
    %get3A_271 = tpu.vector_load %arg10[%get3A_270] {strides = array<i32>} : memref<1024xf32, #tpu.memory_space<vmem>>, vector<16xf32>,
    %add3A_272 = arith.addf %add3A_269, %get3A_271 : vector<16xf32>
    %get3A_273 = arith.constant 736 : index
    %get3A_274 = tpu.vector_load %arg10[%get3A_273] {strides = array<i32>} : memref<1024xf32, #tpu.memory_space<vmem>>, vector<16xf32>,
    %add3A_275 = arith.addf %add3A_272, %get3A_274 : vector<16xf32>
    %get3A_276 = arith.constant 800 : index
    %get3A_277 = tpu.vector_load %arg10[%get3A_276] {strides = array<i32>} : memref<1024xf32, #tpu.memory_space<vmem>>, vector<16xf32>,
    %add3A_278 = arith.addf %add3A_275, %get3A_277 : vector<16xf32>
    %get3A_279 = arith.constant 864 : index
    %get3A_280 = tpu.vector_load %arg10[%get3A_279] {strides = array<i32>} : memref<1024xf32, #tpu.memory_space<vmem>>, vector<16xf32>,
    %add3A_281 = arith.addf %add3A_278, %get3A_280 : vector<16xf32>
    %get3A_282 = arith.constant 928 : index
    %get3A_283 = tpu.vector_load %arg10[%get3A_282] {strides = array<i32>} : memref<1024xf32, #tpu.memory_space<vmem>>, vector<16xf32>,
    %add3A_284 = arith.addf %add3A_281, %get3A_283 : vector<16xf32>
    %get3A_285 = arith.constant 992 : index
    %get3A_286 = tpu.vector_load %arg10[%get3A_285] {strides = array<i32>} : memref<1024xf32, #tpu.memory_space<vmem>>, vector<16xf32>,
    %add3A_287 = arith.addf %add3A_284, %get3A_286 : vector<16xf32>
    %swap3A_288 = arith.constant 32 : index
    %swap3A_289 = tpu.vector_load %arg11[%swap3A_288] {strides = array<i32>} : memref<64xf32, #tpu.memory_space<vmem>>, vector<16xf32>,
    tpu.vector_store %arg11[%swap3A_288], %add3A_287 {strides = array<i32>} : memref<64xf32, #tpu.memory_space<vmem>>, vector<16xf32>,
    %get3A_290 = arith.constant 48 : index
    %get3A_291 = tpu.vector_load %arg10[%get3A_290] {strides = array<i32>} : memref<1024xf32, #tpu.memory_space<vmem>>, vector<16xf32>,
    %get3A_292 = arith.constant 112 : index
    %get3A_293 = tpu.vector_load %arg10[%get3A_292] {strides = array<i32>} : memref<1024xf32, #tpu.memory_space<vmem>>, vector<16xf32>,
    %add3A_294 = arith.addf %get3A_291, %get3A_293 : vector<16xf32>
    %get3A_295 = arith.constant 176 : index
    %get3A_296 = tpu.vector_load %arg10[%get3A_295] {strides = array<i32>} : memref<1024xf32, #tpu.memory_space<vmem>>, vector<16xf32>,
    %add3A_297 = arith.addf %add3A_294, %get3A_296 : vector<16xf32>
    %get3A_298 = arith.constant 240 : index
    %get3A_299 = tpu.vector_load %arg10[%get3A_298] {strides = array<i32>} : memref<1024xf32, #tpu.memory_space<vmem>>, vector<16xf32>,
    %add3A_300 = arith.addf %add3A_297, %get3A_299 : vector<16xf32>
    %get3A_301 = arith.constant 304 : index
    %get3A_302 = tpu.vector_load %arg10[%get3A_301] {strides = array<i32>} : memref<1024xf32, #tpu.memory_space<vmem>>, vector<16xf32>,
    %add3A_303 = arith.addf %add3A_300, %get3A_302 : vector<16xf32>
    %get3A_304 = arith.constant 368 : index
    %get3A_305 = tpu.vector_load %arg10[%get3A_304] {strides = array<i32>} : memref<1024xf32, #tpu.memory_space<vmem>>, vector<16xf32>,
    %add3A_306 = arith.addf %add3A_303, %get3A_305 : vector<16xf32>
    %get3A_307 = arith.constant 432 : index
    %get3A_308 = tpu.vector_load %arg10[%get3A_307] {strides = array<i32>} : memref<1024xf32, #tpu.memory_space<vmem>>, vector<16xf32>,
    %add3A_309 = arith.addf %add3A_306, %get3A_308 : vector<16xf32>
    %get3A_310 = arith.constant 496 : index
    %get3A_311 = tpu.vector_load %arg10[%get3A_310] {strides = array<i32>} : memref<1024xf32, #tpu.memory_space<vmem>>, vector<16xf32>,
    %add3A_312 = arith.addf %add3A_309, %get3A_311 : vector<16xf32>
    %get3A_313 = arith.constant 560 : index
    %get3A_314 = tpu.vector_load %arg10[%get3A_313] {strides = array<i32>} : memref<1024xf32, #tpu.memory_space<vmem>>, vector<16xf32>,
    %add3A_315 = arith.addf %add3A_312, %get3A_314 : vector<16xf32>
    %get3A_316 = arith.constant 624 : index
    %get3A_317 = tpu.vector_load %arg10[%get3A_316] {strides = array<i32>} : memref<1024xf32, #tpu.memory_space<vmem>>, vector<16xf32>,
    %add3A_318 = arith.addf %add3A_315, %get3A_317 : vector<16xf32>
    %get3A_319 = arith.constant 688 : index
    %get3A_320 = tpu.vector_load %arg10[%get3A_319] {strides = array<i32>} : memref<1024xf32, #tpu.memory_space<vmem>>, vector<16xf32>,
    %add3A_321 = arith.addf %add3A_318, %get3A_320 : vector<16xf32>
    %get3A_322 = arith.constant 752 : index
    %get3A_323 = tpu.vector_load %arg10[%get3A_322] {strides = array<i32>} : memref<1024xf32, #tpu.memory_space<vmem>>, vector<16xf32>,
    %add3A_324 = arith.addf %add3A_321, %get3A_323 : vector<16xf32>
    %get3A_325 = arith.constant 816 : index
    %get3A_326 = tpu.vector_load %arg10[%get3A_325] {strides = array<i32>} : memref<1024xf32, #tpu.memory_space<vmem>>, vector<16xf32>,
    %add3A_327 = arith.addf %add3A_324, %get3A_326 : vector<16xf32>
    %get3A_328 = arith.constant 880 : index
    %get3A_329 = tpu.vector_load %arg10[%get3A_328] {strides = array<i32>} : memref<1024xf32, #tpu.memory_space<vmem>>, vector<16xf32>,
    %add3A_330 = arith.addf %add3A_327, %get3A_329 : vector<16xf32>
    %get3A_331 = arith.constant 944 : index
    %get3A_332 = tpu.vector_load %arg10[%get3A_331] {strides = array<i32>} : memref<1024xf32, #tpu.memory_space<vmem>>, vector<16xf32>,
    %add3A_333 = arith.addf %add3A_330, %get3A_332 : vector<16xf32>
    %get3A_334 = arith.constant 1008 : index
    %get3A_335 = tpu.vector_load %arg10[%get3A_334] {strides = array<i32>} : memref<1024xf32, #tpu.memory_space<vmem>>, vector<16xf32>,
    %add3A_336 = arith.addf %add3A_333, %get3A_335 : vector<16xf32>
    %swap3A_337 = arith.constant 48 : index
    %swap3A_338 = tpu.vector_load %arg11[%swap3A_337] {strides = array<i32>} : memref<64xf32, #tpu.memory_space<vmem>>, vector<16xf32>,
    tpu.vector_store %arg11[%swap3A_337], %add3A_336 {strides = array<i32>} : memref<64xf32, #tpu.memory_space<vmem>>, vector<16xf32>,
    %mul3A_339 = arith.constant 64 : i32
    %mul3A_340 = arith.muli %arg1, %mul3A_339 : i32
    "tpu.region"() ({
      %run_scoped3A = tpu.sem_alloc : memref<!tpu.dma_semaphore, #tpu.memory_space<semaphore_mem>>
      %dma_start3A_343 = tpu.memref_slice %arg13[%mul3A_340] : memref<1024xf32, #tpu.memory_space<vmem_shared>> -> memref<64xf32, #tpu.memory_space<vmem_shared>>
      %dma_start3A_344 = tpu.memref_slice %arg13[%mul3A_340] : memref<1024xf32, #tpu.memory_space<vmem_shared>> -> memref<64xf32, #tpu.memory_space<vmem_shared>>
      tpu.enqueue_dma source(%arg11 : memref<64xf32, #tpu.memory_space<vmem>>) target(%dma_start3A_344 : memref<64xf32, #tpu.memory_space<vmem_shared>>) target_semaphore(%run_scoped3A : memref<!tpu.dma_semaphore, #tpu.memory_space<semaphore_mem>>)
      %dma_wait3A_345 = tpu.memref_slice %arg13[%mul3A_340] : memref<1024xf32, #tpu.memory_space<vmem_shared>> -> memref<64xf32, #tpu.memory_space<vmem_shared>>
      %dma_wait3A_346 = tpu.memref_slice %arg13[%mul3A_340] : memref<1024xf32, #tpu.memory_space<vmem_shared>> -> memref<64xf32, #tpu.memory_space<vmem_shared>>
      tpu.wait_dma2 semaphore(%run_scoped3A : memref<!tpu.dma_semaphore, #tpu.memory_space<semaphore_mem>>) src(%arg11 : memref<64xf32, #tpu.memory_space<vmem>>) dst(%dma_wait3A_346 : memref<64xf32, #tpu.memory_space<vmem_shared>>)
      tpu.yield
    }) : () -> ()
    %barrier3A = arith.constant 0 : index
    tpu.barrier barrier_id(%barrier3A)
    %eq3A = arith.constant 0 : i32
    %eq3A_341 = arith.cmpi eq, %arg1, %eq3A : i32
    %convert_element_type3A = arith.extui %eq3A_341 : i1 to i32
    %cond3A = arith.constant 0 : i32
    %cond3A_342 = arith.cmpi ne, %convert_element_type3A, %cond3A : i32
    scf.if %cond3A_342 {
      "tpu.region"() ({
        %run_scoped3A = tpu.sem_alloc : memref<!tpu.dma_semaphore, #tpu.memory_space<semaphore_mem>>
        tpu.enqueue_dma source(%arg13 : memref<1024xf32, #tpu.memory_space<vmem_shared>>) target(%arg12 : memref<1024xf32, #tpu.memory_space<vmem>>) target_semaphore(%run_scoped3A : memref<!tpu.dma_semaphore, #tpu.memory_space<semaphore_mem>>)
        tpu.wait_dma2 semaphore(%run_scoped3A : memref<!tpu.dma_semaphore, #tpu.memory_space<semaphore_mem>>) src(%arg13 : memref<1024xf32, #tpu.memory_space<vmem_shared>>) dst(%arg12 : memref<1024xf32, #tpu.memory_space<vmem>>)
        tpu.yield
      }) : () -> ()
      %get3A_343 = arith.constant 0 : index
      %get3A_344 = tpu.vector_load %arg12[%get3A_343] {strides = array<i32>} : memref<1024xf32, #tpu.memory_space<vmem>>, vector<16xf32>,
      %get3A_345 = arith.constant 64 : index
      %get3A_346 = tpu.vector_load %arg12[%get3A_345] {strides = array<i32>} : memref<1024xf32, #tpu.memory_space<vmem>>, vector<16xf32>,
      %add3A_347 = arith.addf %get3A_344, %get3A_346 : vector<16xf32>
      %get3A_348 = arith.constant 128 : index
      %get3A_349 = tpu.vector_load %arg12[%get3A_348] {strides = array<i32>} : memref<1024xf32, #tpu.memory_space<vmem>>, vector<16xf32>,
      %add3A_350 = arith.addf %add3A_347, %get3A_349 : vector<16xf32>
      %get3A_351 = arith.constant 192 : index
      %get3A_352 = tpu.vector_load %arg12[%get3A_351] {strides = array<i32>} : memref<1024xf32, #tpu.memory_space<vmem>>, vector<16xf32>,
      %add3A_353 = arith.addf %add3A_350, %get3A_352 : vector<16xf32>
      %get3A_354 = arith.constant 256 : index
      %get3A_355 = tpu.vector_load %arg12[%get3A_354] {strides = array<i32>} : memref<1024xf32, #tpu.memory_space<vmem>>, vector<16xf32>,
      %add3A_356 = arith.addf %add3A_353, %get3A_355 : vector<16xf32>
      %get3A_357 = arith.constant 320 : index
      %get3A_358 = tpu.vector_load %arg12[%get3A_357] {strides = array<i32>} : memref<1024xf32, #tpu.memory_space<vmem>>, vector<16xf32>,
      %add3A_359 = arith.addf %add3A_356, %get3A_358 : vector<16xf32>
      %get3A_360 = arith.constant 384 : index
      %get3A_361 = tpu.vector_load %arg12[%get3A_360] {strides = array<i32>} : memref<1024xf32, #tpu.memory_space<vmem>>, vector<16xf32>,
      %add3A_362 = arith.addf %add3A_359, %get3A_361 : vector<16xf32>
      %get3A_363 = arith.constant 448 : index
      %get3A_364 = tpu.vector_load %arg12[%get3A_363] {strides = array<i32>} : memref<1024xf32, #tpu.memory_space<vmem>>, vector<16xf32>,
      %add3A_365 = arith.addf %add3A_362, %get3A_364 : vector<16xf32>
      %get3A_366 = arith.constant 512 : index
      %get3A_367 = tpu.vector_load %arg12[%get3A_366] {strides = array<i32>} : memref<1024xf32, #tpu.memory_space<vmem>>, vector<16xf32>,
      %add3A_368 = arith.addf %add3A_365, %get3A_367 : vector<16xf32>
      %get3A_369 = arith.constant 576 : index
      %get3A_370 = tpu.vector_load %arg12[%get3A_369] {strides = array<i32>} : memref<1024xf32, #tpu.memory_space<vmem>>, vector<16xf32>,
      %add3A_371 = arith.addf %add3A_368, %get3A_370 : vector<16xf32>
      %get3A_372 = arith.constant 640 : index
      %get3A_373 = tpu.vector_load %arg12[%get3A_372] {strides = array<i32>} : memref<1024xf32, #tpu.memory_space<vmem>>, vector<16xf32>,
      %add3A_374 = arith.addf %add3A_371, %get3A_373 : vector<16xf32>
      %get3A_375 = arith.constant 704 : index
      %get3A_376 = tpu.vector_load %arg12[%get3A_375] {strides = array<i32>} : memref<1024xf32, #tpu.memory_space<vmem>>, vector<16xf32>,
      %add3A_377 = arith.addf %add3A_374, %get3A_376 : vector<16xf32>
      %get3A_378 = arith.constant 768 : index
      %get3A_379 = tpu.vector_load %arg12[%get3A_378] {strides = array<i32>} : memref<1024xf32, #tpu.memory_space<vmem>>, vector<16xf32>,
      %add3A_380 = arith.addf %add3A_377, %get3A_379 : vector<16xf32>
      %get3A_381 = arith.constant 832 : index
      %get3A_382 = tpu.vector_load %arg12[%get3A_381] {strides = array<i32>} : memref<1024xf32, #tpu.memory_space<vmem>>, vector<16xf32>,
      %add3A_383 = arith.addf %add3A_380, %get3A_382 : vector<16xf32>
      %get3A_384 = arith.constant 896 : index
      %get3A_385 = tpu.vector_load %arg12[%get3A_384] {strides = array<i32>} : memref<1024xf32, #tpu.memory_space<vmem>>, vector<16xf32>,
      %add3A_386 = arith.addf %add3A_383, %get3A_385 : vector<16xf32>
      %get3A_387 = arith.constant 960 : index
      %get3A_388 = tpu.vector_load %arg12[%get3A_387] {strides = array<i32>} : memref<1024xf32, #tpu.memory_space<vmem>>, vector<16xf32>,
      %add3A_389 = arith.addf %add3A_386, %get3A_388 : vector<16xf32>
      %swap3A_390 = arith.constant 0 : index
      %swap3A_391 = tpu.vector_load %arg11[%swap3A_390] {strides = array<i32>} : memref<64xf32, #tpu.memory_space<vmem>>, vector<16xf32>,
      tpu.vector_store %arg11[%swap3A_390], %add3A_389 {strides = array<i32>} : memref<64xf32, #tpu.memory_space<vmem>>, vector<16xf32>,
      %get3A_392 = arith.constant 16 : index
      %get3A_393 = tpu.vector_load %arg12[%get3A_392] {strides = array<i32>} : memref<1024xf32, #tpu.memory_space<vmem>>, vector<16xf32>,
      %get3A_394 = arith.constant 80 : index
      %get3A_395 = tpu.vector_load %arg12[%get3A_394] {strides = array<i32>} : memref<1024xf32, #tpu.memory_space<vmem>>, vector<16xf32>,
      %add3A_396 = arith.addf %get3A_393, %get3A_395 : vector<16xf32>
      %get3A_397 = arith.constant 144 : index
      %get3A_398 = tpu.vector_load %arg12[%get3A_397] {strides = array<i32>} : memref<1024xf32, #tpu.memory_space<vmem>>, vector<16xf32>,
      %add3A_399 = arith.addf %add3A_396, %get3A_398 : vector<16xf32>
      %get3A_400 = arith.constant 208 : index
      %get3A_401 = tpu.vector_load %arg12[%get3A_400] {strides = array<i32>} : memref<1024xf32, #tpu.memory_space<vmem>>, vector<16xf32>,
      %add3A_402 = arith.addf %add3A_399, %get3A_401 : vector<16xf32>
      %get3A_403 = arith.constant 272 : index
      %get3A_404 = tpu.vector_load %arg12[%get3A_403] {strides = array<i32>} : memref<1024xf32, #tpu.memory_space<vmem>>, vector<16xf32>,
      %add3A_405 = arith.addf %add3A_402, %get3A_404 : vector<16xf32>
      %get3A_406 = arith.constant 336 : index
      %get3A_407 = tpu.vector_load %arg12[%get3A_406] {strides = array<i32>} : memref<1024xf32, #tpu.memory_space<vmem>>, vector<16xf32>,
      %add3A_408 = arith.addf %add3A_405, %get3A_407 : vector<16xf32>
      %get3A_409 = arith.constant 400 : index
      %get3A_410 = tpu.vector_load %arg12[%get3A_409] {strides = array<i32>} : memref<1024xf32, #tpu.memory_space<vmem>>, vector<16xf32>,
      %add3A_411 = arith.addf %add3A_408, %get3A_410 : vector<16xf32>
      %get3A_412 = arith.constant 464 : index
      %get3A_413 = tpu.vector_load %arg12[%get3A_412] {strides = array<i32>} : memref<1024xf32, #tpu.memory_space<vmem>>, vector<16xf32>,
      %add3A_414 = arith.addf %add3A_411, %get3A_413 : vector<16xf32>
      %get3A_415 = arith.constant 528 : index
      %get3A_416 = tpu.vector_load %arg12[%get3A_415] {strides = array<i32>} : memref<1024xf32, #tpu.memory_space<vmem>>, vector<16xf32>,
      %add3A_417 = arith.addf %add3A_414, %get3A_416 : vector<16xf32>
      %get3A_418 = arith.constant 592 : index
      %get3A_419 = tpu.vector_load %arg12[%get3A_418] {strides = array<i32>} : memref<1024xf32, #tpu.memory_space<vmem>>, vector<16xf32>,
      %add3A_420 = arith.addf %add3A_417, %get3A_419 : vector<16xf32>
      %get3A_421 = arith.constant 656 : index
      %get3A_422 = tpu.vector_load %arg12[%get3A_421] {strides = array<i32>} : memref<1024xf32, #tpu.memory_space<vmem>>, vector<16xf32>,
      %add3A_423 = arith.addf %add3A_420, %get3A_422 : vector<16xf32>
      %get3A_424 = arith.constant 720 : index
      %get3A_425 = tpu.vector_load %arg12[%get3A_424] {strides = array<i32>} : memref<1024xf32, #tpu.memory_space<vmem>>, vector<16xf32>,
      %add3A_426 = arith.addf %add3A_423, %get3A_425 : vector<16xf32>
      %get3A_427 = arith.constant 784 : index
      %get3A_428 = tpu.vector_load %arg12[%get3A_427] {strides = array<i32>} : memref<1024xf32, #tpu.memory_space<vmem>>, vector<16xf32>,
      %add3A_429 = arith.addf %add3A_426, %get3A_428 : vector<16xf32>
      %get3A_430 = arith.constant 848 : index
      %get3A_431 = tpu.vector_load %arg12[%get3A_430] {strides = array<i32>} : memref<1024xf32, #tpu.memory_space<vmem>>, vector<16xf32>,
      %add3A_432 = arith.addf %add3A_429, %get3A_431 : vector<16xf32>
      %get3A_433 = arith.constant 912 : index
      %get3A_434 = tpu.vector_load %arg12[%get3A_433] {strides = array<i32>} : memref<1024xf32, #tpu.memory_space<vmem>>, vector<16xf32>,
      %add3A_435 = arith.addf %add3A_432, %get3A_434 : vector<16xf32>
      %get3A_436 = arith.constant 976 : index
      %get3A_437 = tpu.vector_load %arg12[%get3A_436] {strides = array<i32>} : memref<1024xf32, #tpu.memory_space<vmem>>, vector<16xf32>,
      %add3A_438 = arith.addf %add3A_435, %get3A_437 : vector<16xf32>
      %swap3A_439 = arith.constant 16 : index
      %swap3A_440 = tpu.vector_load %arg11[%swap3A_439] {strides = array<i32>} : memref<64xf32, #tpu.memory_space<vmem>>, vector<16xf32>,
      tpu.vector_store %arg11[%swap3A_439], %add3A_438 {strides = array<i32>} : memref<64xf32, #tpu.memory_space<vmem>>, vector<16xf32>,
      %get3A_441 = arith.constant 32 : index
      %get3A_442 = tpu.vector_load %arg12[%get3A_441] {strides = array<i32>} : memref<1024xf32, #tpu.memory_space<vmem>>, vector<16xf32>,
      %get3A_443 = arith.constant 96 : index
      %get3A_444 = tpu.vector_load %arg12[%get3A_443] {strides = array<i32>} : memref<1024xf32, #tpu.memory_space<vmem>>, vector<16xf32>,
      %add3A_445 = arith.addf %get3A_442, %get3A_444 : vector<16xf32>
      %get3A_446 = arith.constant 160 : index
      %get3A_447 = tpu.vector_load %arg12[%get3A_446] {strides = array<i32>} : memref<1024xf32, #tpu.memory_space<vmem>>, vector<16xf32>,
      %add3A_448 = arith.addf %add3A_445, %get3A_447 : vector<16xf32>
      %get3A_449 = arith.constant 224 : index
      %get3A_450 = tpu.vector_load %arg12[%get3A_449] {strides = array<i32>} : memref<1024xf32, #tpu.memory_space<vmem>>, vector<16xf32>,
      %add3A_451 = arith.addf %add3A_448, %get3A_450 : vector<16xf32>
      %get3A_452 = arith.constant 288 : index
      %get3A_453 = tpu.vector_load %arg12[%get3A_452] {strides = array<i32>} : memref<1024xf32, #tpu.memory_space<vmem>>, vector<16xf32>,
      %add3A_454 = arith.addf %add3A_451, %get3A_453 : vector<16xf32>
      %get3A_455 = arith.constant 352 : index
      %get3A_456 = tpu.vector_load %arg12[%get3A_455] {strides = array<i32>} : memref<1024xf32, #tpu.memory_space<vmem>>, vector<16xf32>,
      %add3A_457 = arith.addf %add3A_454, %get3A_456 : vector<16xf32>
      %get3A_458 = arith.constant 416 : index
      %get3A_459 = tpu.vector_load %arg12[%get3A_458] {strides = array<i32>} : memref<1024xf32, #tpu.memory_space<vmem>>, vector<16xf32>,
      %add3A_460 = arith.addf %add3A_457, %get3A_459 : vector<16xf32>
      %get3A_461 = arith.constant 480 : index
      %get3A_462 = tpu.vector_load %arg12[%get3A_461] {strides = array<i32>} : memref<1024xf32, #tpu.memory_space<vmem>>, vector<16xf32>,
      %add3A_463 = arith.addf %add3A_460, %get3A_462 : vector<16xf32>
      %get3A_464 = arith.constant 544 : index
      %get3A_465 = tpu.vector_load %arg12[%get3A_464] {strides = array<i32>} : memref<1024xf32, #tpu.memory_space<vmem>>, vector<16xf32>,
      %add3A_466 = arith.addf %add3A_463, %get3A_465 : vector<16xf32>
      %get3A_467 = arith.constant 608 : index
      %get3A_468 = tpu.vector_load %arg12[%get3A_467] {strides = array<i32>} : memref<1024xf32, #tpu.memory_space<vmem>>, vector<16xf32>,
      %add3A_469 = arith.addf %add3A_466, %get3A_468 : vector<16xf32>
      %get3A_470 = arith.constant 672 : index
      %get3A_471 = tpu.vector_load %arg12[%get3A_470] {strides = array<i32>} : memref<1024xf32, #tpu.memory_space<vmem>>, vector<16xf32>,
      %add3A_472 = arith.addf %add3A_469, %get3A_471 : vector<16xf32>
      %get3A_473 = arith.constant 736 : index
      %get3A_474 = tpu.vector_load %arg12[%get3A_473] {strides = array<i32>} : memref<1024xf32, #tpu.memory_space<vmem>>, vector<16xf32>,
      %add3A_475 = arith.addf %add3A_472, %get3A_474 : vector<16xf32>
      %get3A_476 = arith.constant 800 : index
      %get3A_477 = tpu.vector_load %arg12[%get3A_476] {strides = array<i32>} : memref<1024xf32, #tpu.memory_space<vmem>>, vector<16xf32>,
      %add3A_478 = arith.addf %add3A_475, %get3A_477 : vector<16xf32>
      %get3A_479 = arith.constant 864 : index
      %get3A_480 = tpu.vector_load %arg12[%get3A_479] {strides = array<i32>} : memref<1024xf32, #tpu.memory_space<vmem>>, vector<16xf32>,
      %add3A_481 = arith.addf %add3A_478, %get3A_480 : vector<16xf32>
      %get3A_482 = arith.constant 928 : index
      %get3A_483 = tpu.vector_load %arg12[%get3A_482] {strides = array<i32>} : memref<1024xf32, #tpu.memory_space<vmem>>, vector<16xf32>,
      %add3A_484 = arith.addf %add3A_481, %get3A_483 : vector<16xf32>
      %get3A_485 = arith.constant 992 : index
      %get3A_486 = tpu.vector_load %arg12[%get3A_485] {strides = array<i32>} : memref<1024xf32, #tpu.memory_space<vmem>>, vector<16xf32>,
      %add3A_487 = arith.addf %add3A_484, %get3A_486 : vector<16xf32>
      %swap3A_488 = arith.constant 32 : index
      %swap3A_489 = tpu.vector_load %arg11[%swap3A_488] {strides = array<i32>} : memref<64xf32, #tpu.memory_space<vmem>>, vector<16xf32>,
      tpu.vector_store %arg11[%swap3A_488], %add3A_487 {strides = array<i32>} : memref<64xf32, #tpu.memory_space<vmem>>, vector<16xf32>,
      %get3A_490 = arith.constant 48 : index
      %get3A_491 = tpu.vector_load %arg12[%get3A_490] {strides = array<i32>} : memref<1024xf32, #tpu.memory_space<vmem>>, vector<16xf32>,
      %get3A_492 = arith.constant 112 : index
      %get3A_493 = tpu.vector_load %arg12[%get3A_492] {strides = array<i32>} : memref<1024xf32, #tpu.memory_space<vmem>>, vector<16xf32>,
      %add3A_494 = arith.addf %get3A_491, %get3A_493 : vector<16xf32>
      %get3A_495 = arith.constant 176 : index
      %get3A_496 = tpu.vector_load %arg12[%get3A_495] {strides = array<i32>} : memref<1024xf32, #tpu.memory_space<vmem>>, vector<16xf32>,
      %add3A_497 = arith.addf %add3A_494, %get3A_496 : vector<16xf32>
      %get3A_498 = arith.constant 240 : index
      %get3A_499 = tpu.vector_load %arg12[%get3A_498] {strides = array<i32>} : memref<1024xf32, #tpu.memory_space<vmem>>, vector<16xf32>,
      %add3A_500 = arith.addf %add3A_497, %get3A_499 : vector<16xf32>
      %get3A_501 = arith.constant 304 : index
      %get3A_502 = tpu.vector_load %arg12[%get3A_501] {strides = array<i32>} : memref<1024xf32, #tpu.memory_space<vmem>>, vector<16xf32>,
      %add3A_503 = arith.addf %add3A_500, %get3A_502 : vector<16xf32>
      %get3A_504 = arith.constant 368 : index
      %get3A_505 = tpu.vector_load %arg12[%get3A_504] {strides = array<i32>} : memref<1024xf32, #tpu.memory_space<vmem>>, vector<16xf32>,
      %add3A_506 = arith.addf %add3A_503, %get3A_505 : vector<16xf32>
      %get3A_507 = arith.constant 432 : index
      %get3A_508 = tpu.vector_load %arg12[%get3A_507] {strides = array<i32>} : memref<1024xf32, #tpu.memory_space<vmem>>, vector<16xf32>,
      %add3A_509 = arith.addf %add3A_506, %get3A_508 : vector<16xf32>
      %get3A_510 = arith.constant 496 : index
      %get3A_511 = tpu.vector_load %arg12[%get3A_510] {strides = array<i32>} : memref<1024xf32, #tpu.memory_space<vmem>>, vector<16xf32>,
      %add3A_512 = arith.addf %add3A_509, %get3A_511 : vector<16xf32>
      %get3A_513 = arith.constant 560 : index
      %get3A_514 = tpu.vector_load %arg12[%get3A_513] {strides = array<i32>} : memref<1024xf32, #tpu.memory_space<vmem>>, vector<16xf32>,
      %add3A_515 = arith.addf %add3A_512, %get3A_514 : vector<16xf32>
      %get3A_516 = arith.constant 624 : index
      %get3A_517 = tpu.vector_load %arg12[%get3A_516] {strides = array<i32>} : memref<1024xf32, #tpu.memory_space<vmem>>, vector<16xf32>,
      %add3A_518 = arith.addf %add3A_515, %get3A_517 : vector<16xf32>
      %get3A_519 = arith.constant 688 : index
      %get3A_520 = tpu.vector_load %arg12[%get3A_519] {strides = array<i32>} : memref<1024xf32, #tpu.memory_space<vmem>>, vector<16xf32>,
      %add3A_521 = arith.addf %add3A_518, %get3A_520 : vector<16xf32>
      %get3A_522 = arith.constant 752 : index
      %get3A_523 = tpu.vector_load %arg12[%get3A_522] {strides = array<i32>} : memref<1024xf32, #tpu.memory_space<vmem>>, vector<16xf32>,
      %add3A_524 = arith.addf %add3A_521, %get3A_523 : vector<16xf32>
      %get3A_525 = arith.constant 816 : index
      %get3A_526 = tpu.vector_load %arg12[%get3A_525] {strides = array<i32>} : memref<1024xf32, #tpu.memory_space<vmem>>, vector<16xf32>,
      %add3A_527 = arith.addf %add3A_524, %get3A_526 : vector<16xf32>
      %get3A_528 = arith.constant 880 : index
      %get3A_529 = tpu.vector_load %arg12[%get3A_528] {strides = array<i32>} : memref<1024xf32, #tpu.memory_space<vmem>>, vector<16xf32>,
      %add3A_530 = arith.addf %add3A_527, %get3A_529 : vector<16xf32>
      %get3A_531 = arith.constant 944 : index
      %get3A_532 = tpu.vector_load %arg12[%get3A_531] {strides = array<i32>} : memref<1024xf32, #tpu.memory_space<vmem>>, vector<16xf32>,
      %add3A_533 = arith.addf %add3A_530, %get3A_532 : vector<16xf32>
      %get3A_534 = arith.constant 1008 : index
      %get3A_535 = tpu.vector_load %arg12[%get3A_534] {strides = array<i32>} : memref<1024xf32, #tpu.memory_space<vmem>>, vector<16xf32>,
      %add3A_536 = arith.addf %add3A_533, %get3A_535 : vector<16xf32>
      %swap3A_537 = arith.constant 48 : index
      %swap3A_538 = tpu.vector_load %arg11[%swap3A_537] {strides = array<i32>} : memref<64xf32, #tpu.memory_space<vmem>>, vector<16xf32>,
      tpu.vector_store %arg11[%swap3A_537], %add3A_536 {strides = array<i32>} : memref<64xf32, #tpu.memory_space<vmem>>, vector<16xf32>,
      "tpu.region"() ({
        %run_scoped3A = tpu.sem_alloc : memref<!tpu.dma_semaphore, #tpu.memory_space<semaphore_mem>>
        tpu.enqueue_dma source(%arg11 : memref<64xf32, #tpu.memory_space<vmem>>) target(%arg5 : memref<64xf32, #tpu.memory_space<hbm>>) target_semaphore(%run_scoped3A : memref<!tpu.dma_semaphore, #tpu.memory_space<semaphore_mem>>)
        tpu.wait_dma2 semaphore(%run_scoped3A : memref<!tpu.dma_semaphore, #tpu.memory_space<semaphore_mem>>) src(%arg11 : memref<64xf32, #tpu.memory_space<vmem>>) dst(%arg5 : memref<64xf32, #tpu.memory_space<hbm>>)
        tpu.yield
      }) : () -> ()
    } else {
    }
    return
  }
}

module attributes {stable_mosaic.version = 14 : i64} {
  func.func @_tc_body(%arg0: i32, %arg1: memref<8192x128xf32, #tpu.memory_space<vmem>>, %arg2: memref<8192xi32, #tpu.memory_space<vmem>>, %arg3: memref<64xf32, #tpu.memory_space<vmem>>, %arg4: memref<64xf32, #tpu.memory_space<vmem>>) attributes {dimension_semantics = [#tpu.dimension_semantics<arbitrary>], iteration_bounds = array<i64: 4>, scalar_prefetch = 0 : i64, scratch_operands = 0 : i64, tpu.core_type = #tpu.core_type<tc>, window_params = [{transform_indices = @transform_0, window_bounds = array<i64: 8192, 128>}, {transform_indices = @transform_1, window_bounds = array<i64: 8192>}, {pipeline_mode = #tpu.pipeline_mode<synchronous>, transform_indices = @transform_2, window_bounds = array<i64: 64>}, {pipeline_mode = #tpu.pipeline_mode<synchronous>, transform_indices = @transform_3, window_bounds = array<i64: 64>}]} {
    %get3A = arith.constant 0 : index
    %get3A_0 = arith.constant 0 : index
    %get3A_1 = vector.load %arg1[%get3A, %get3A_0] : memref<8192x128xf32, #tpu.memory_space<vmem>>, vector<8192x128xf32>
    %reduce_max3A = arith.constant dense<0xFF800000> : vector<8192xf32>
    %reduce_max3A_2 = vector.multi_reduction <maximumf>, %get3A_1, %reduce_max3A [1] : vector<8192x128xf32> to vector<8192xf32>
    %broadcast_in_dim3A = vector.shape_cast %reduce_max3A_2 : vector<8192xf32> to vector<8192x1xf32>
    %sub3A = vector.broadcast %broadcast_in_dim3A : vector<8192x1xf32> to vector<8192x128xf32>
    %sub3A_3 = arith.subf %get3A_1, %sub3A : vector<8192x128xf32>
    %exp3A = math.exp %sub3A_3 : vector<8192x128xf32>
    %reduce_sum3A = arith.constant dense<0.000000e+00> : vector<8192xf32>
    %reduce_sum3A_4 = vector.multi_reduction <add>, %exp3A, %reduce_sum3A [1] : vector<8192x128xf32> to vector<8192xf32>
    %broadcast_in_dim3A_5 = vector.shape_cast %reduce_sum3A_4 : vector<8192xf32> to vector<8192x1xf32>
    %log3A = math.log %broadcast_in_dim3A_5 : vector<8192x1xf32>
    %add3A = arith.addf %log3A, %broadcast_in_dim3A : vector<8192x1xf32>
    %get3A_6 = arith.constant 0 : index
    %get3A_7 = vector.load %arg2[%get3A_6] : memref<8192xi32, #tpu.memory_space<vmem>>, vector<8192xi32>
    %iota3A = tpu.iota {dimensions = array<i32: 0>} : vector<64x8192xi32>
    %broadcast_in_dim3A_8 = vector.shape_cast %get3A_7 : vector<8192xi32> to vector<1x8192xi32>
    %eq3A = vector.broadcast %broadcast_in_dim3A_8 : vector<1x8192xi32> to vector<64x8192xi32>
    %eq3A_9 = arith.cmpi eq, %iota3A, %eq3A : vector<64x8192xi32>
    %jit3A = arith.constant 1.000000e+00 : f32
    %jit3A_10 = arith.constant 0.000000e+00 : f32
    %broadcast_in_dim3A_11 = vector.broadcast %jit3A : f32 to vector<64x8192xf32>
    %broadcast_in_dim3A_12 = vector.broadcast %jit3A_10 : f32 to vector<64x8192xf32>
    %select_n3A = arith.select %eq3A_9, %broadcast_in_dim3A_11, %broadcast_in_dim3A_12 : vector<64x8192xi1>, vector<64x8192xf32>
    %broadcast_in_dim3A_13 = arith.constant 1.000000e+00 : f32
    %broadcast_in_dim3A_14 = vector.broadcast %broadcast_in_dim3A_13 : f32 to vector<8192x1xf32>
    %concatenate3A = tpu.concatenate %add3A, %broadcast_in_dim3A_14 in 1 : vector<8192x1xf32>, vector<8192x1xf32> -> vector<8192x2xf32>
    %dot_general3A = arith.constant dense<0.000000e+00> : vector<64x2xf32>
    %dot_general3A_15 = tpu.matmul %select_n3A, %concatenate3A, %dot_general3A {dimension_numbers = #tpu.dot_dimension_numbers<[1], [0], [0], [1], [0, 0, 1, 1], [], []>, transpose_lhs_hint = false} : vector<64x8192xf32>, vector<8192x2xf32>, vector<64x2xf32> -> vector<64x2xf32>
    %eq3A_16 = arith.constant 0 : i32
    %eq3A_17 = arith.cmpi eq, %arg0, %eq3A_16 : i32
    %convert_element_type3A = arith.extui %eq3A_17 : i1 to i32
    %cond3A = arith.constant 0 : i32
    %cond3A_18 = arith.cmpi ne, %convert_element_type3A, %cond3A : i32
    scf.if %cond3A_18 {
      %broadcast_in_dim3A_30 = arith.constant 0.000000e+00 : f32
      %broadcast_in_dim3A_31 = vector.broadcast %broadcast_in_dim3A_30 : f32 to vector<64xf32>
      %swap3A_32 = arith.constant 0 : index
      %swap3A_33 = vector.load %arg3[%swap3A_32] : memref<64xf32, #tpu.memory_space<vmem>>, vector<64xf32>
      tpu.vector_store %arg3[%swap3A_32], %broadcast_in_dim3A_31 {strides = array<i32>} : memref<64xf32, #tpu.memory_space<vmem>>, vector<64xf32>,
      %broadcast_in_dim3A_34 = arith.constant 0.000000e+00 : f32
      %broadcast_in_dim3A_35 = vector.broadcast %broadcast_in_dim3A_34 : f32 to vector<64xf32>
      %swap3A_36 = arith.constant 0 : index
      %swap3A_37 = vector.load %arg4[%swap3A_36] : memref<64xf32, #tpu.memory_space<vmem>>, vector<64xf32>
      tpu.vector_store %arg4[%swap3A_36], %broadcast_in_dim3A_35 {strides = array<i32>} : memref<64xf32, #tpu.memory_space<vmem>>, vector<64xf32>,
    } else {
    }
    %get3A_19 = arith.constant 0 : index
    %get3A_20 = vector.load %arg3[%get3A_19] : memref<64xf32, #tpu.memory_space<vmem>>, vector<64xf32>
    %slice3A = vector.extract_strided_slice %dot_general3A_15 {offsets = [0, 0], sizes = [64, 1], strides = [1, 1]} : vector<64x2xf32> to vector<64x1xf32>
    %squeeze3A = vector.shape_cast %slice3A : vector<64x1xf32> to vector<64xf32>
    %add3A_21 = arith.addf %get3A_20, %squeeze3A : vector<64xf32>
    %swap3A = arith.constant 0 : index
    %swap3A_22 = vector.load %arg3[%swap3A] : memref<64xf32, #tpu.memory_space<vmem>>, vector<64xf32>
    tpu.vector_store %arg3[%swap3A], %add3A_21 {strides = array<i32>} : memref<64xf32, #tpu.memory_space<vmem>>, vector<64xf32>,
    %get3A_23 = arith.constant 0 : index
    %get3A_24 = vector.load %arg4[%get3A_23] : memref<64xf32, #tpu.memory_space<vmem>>, vector<64xf32>
    %slice3A_25 = vector.extract_strided_slice %dot_general3A_15 {offsets = [0, 1], sizes = [64, 1], strides = [1, 1]} : vector<64x2xf32> to vector<64x1xf32>
    %squeeze3A_26 = vector.shape_cast %slice3A_25 : vector<64x1xf32> to vector<64xf32>
    %add3A_27 = arith.addf %get3A_24, %squeeze3A_26 : vector<64xf32>
    %swap3A_28 = arith.constant 0 : index
    %swap3A_29 = vector.load %arg4[%swap3A_28] : memref<64xf32, #tpu.memory_space<vmem>>, vector<64xf32>
    tpu.vector_store %arg4[%swap3A_28], %add3A_27 {strides = array<i32>} : memref<64xf32, #tpu.memory_space<vmem>>, vector<64xf32>,
    return
  }
  func.func @transform_0(%arg0: i32) -> (i32, i32) {
    %c0_i32 = arith.constant 0 : i32
    %c0_i32_0 = arith.constant 0 : i32
    return %arg0, %c0_i32 : i32, i32
  }
  func.func @transform_1(%arg0: i32) -> i32 {
    %c0_i32 = arith.constant 0 : i32
    return %arg0 : i32
  }
  func.func @transform_2(%arg0: i32) -> i32 {
    %c0_i32 = arith.constant 0 : i32
    %c0_i32_0 = arith.constant 0 : i32
    return %c0_i32 : i32
  }
  func.func @transform_3(%arg0: i32) -> i32 {
    %c0_i32 = arith.constant 0 : i32
    %c0_i32_0 = arith.constant 0 : i32
    return %c0_i32 : i32
  }
}

module attributes {stable_mosaic.version = 14 : i64} {
  func.func @_final_body(%arg0: memref<64xf32, #tpu.memory_space<vmem>>, %arg1: memref<64xf32, #tpu.memory_space<vmem>>, %arg2: memref<64xf32, #tpu.memory_space<vmem>>, %arg3: memref<1xf32, #tpu.memory_space<vmem>>) attributes {dimension_semantics = [], scalar_prefetch = 0 : i64, scratch_operands = 0 : i64, tpu.core_type = #tpu.core_type<tc>} {
    %get3A = arith.constant 0 : index
    %get3A_0 = vector.load %arg0[%get3A] : memref<64xf32, #tpu.memory_space<vmem>>, vector<64xf32>
    %get3A_1 = arith.constant 0 : index
    %get3A_2 = vector.load %arg1[%get3A_1] : memref<64xf32, #tpu.memory_space<vmem>>, vector<64xf32>
    %get3A_3 = arith.constant 0 : index
    %get3A_4 = vector.load %arg2[%get3A_3] : memref<64xf32, #tpu.memory_space<vmem>>, vector<64xf32>
    %gt3A = arith.constant 0.000000e+00 : f32
    %gt3A_5 = vector.broadcast %gt3A : f32 to vector<64xf32>
    %gt3A_6 = arith.cmpf ogt, %get3A_2, %gt3A_5 : vector<64xf32>
    %sub3A = arith.subf %get3A_0, %get3A_4 : vector<64xf32>
    %max3A = arith.constant 1.000000e+00 : f32
    %max3A_7 = vector.broadcast %max3A : f32 to vector<64xf32>
    %max3A_8 = arith.maximumf %get3A_2, %max3A_7 : vector<64xf32>
    %div3A = arith.divf %sub3A, %max3A_8 : vector<64xf32>
    %jit3A = arith.constant 0.000000e+00 : f32
    %broadcast_in_dim3A = vector.broadcast %jit3A : f32 to vector<64xf32>
    %select_n3A = arith.select %gt3A_6, %div3A, %broadcast_in_dim3A : vector<64xi1>, vector<64xf32>
    %reduce_sum3A = vector.shape_cast %select_n3A : vector<64xf32> to vector<1x64xf32>
    %reduce_sum3A_9 = arith.constant dense<0.000000e+00> : vector<1xf32>
    %reduce_sum3A_10 = vector.multi_reduction <add>, %reduce_sum3A, %reduce_sum3A_9 [1] : vector<1x64xf32> to vector<1xf32>
    %reduce_sum3A_11 = vector.shape_cast %reduce_sum3A_10 : vector<1xf32> to vector<1x1xf32>
    %reduce_sum3A_12 = vector.extract %reduce_sum3A_11[0, 0] : f32 from vector<1x1xf32>
    %broadcast_in_dim3A_13 = vector.broadcast %reduce_sum3A_12 : f32 to vector<1xf32>
    %swap3A = arith.constant 0 : index
    %swap3A_14 = vector.load %arg3[%swap3A] : memref<1xf32, #tpu.memory_space<vmem>>, vector<1xf32>
    tpu.vector_store %arg3[%swap3A], %broadcast_in_dim3A_13 {strides = array<i32>} : memref<1xf32, #tpu.memory_space<vmem>>, vector<1xf32>,
    return
  }
}

</mosaic_0001>

<sc_bundles>
// kernel: kernel.5.cloned.1.call-start
scs
__scs_entry_jumppad:
0x0: {  	(pc) =	sbr.rel $0x88, $3  }
0x1: {  	(tag) =	ssettag $0x0;
	lr =	simm.s32 $0x1  }
0x2: {  	[smem:$0x3F9E] =	sst lr;
	_ =	strace $0xD0000000  }
0x3: {  	_ = 	snop  }
0x4: {  	_ = 	snop  }
0x5: {  	_ = 	snop  }
0x6: {  	_ = 	snop  }
0x7: {  	_ = 	snop  }
__scs_overlays_trampoline_lowered:
0x8: {  	[smem:$0x3FAD] =	sst s0  }
0x9: {  	[smem:$0x3FAE] =	sst s1  }
0xa: {  	[smem:$0x3FAF] =	sst s2  }
0xb: {  	[smem:$0x3FB0] =	sst s3  }
0xc: {  	[smem:$0x3FB1] =	sst s4  }
0xd: {  	[smem:$0x3FB2] =	sst s5  }
0xe: {  	[smem:$0x3FB3] =	sst s6  }
0xf: {  	[smem:$0x3FB4] =	sst s7  }
0x10: {  	[smem:$0x3FB5] =	sst s8  }
0x11: {  	[smem:$0x3FB6] =	sst s9;
	s0 =	simm.s32 @!p0 $0x0  }
0x12: {  	s1 =	sld [smem:$0x3F9C];
	s0 =	simm.s32 @p0 $0x1  }
0x13: {  	[smem:$0x3FB7] =	sst s0;
	s0 =	simm.s32 @!p1 $0x0  }
0x14: {  	s2 =	sld [smem:$0x3F9B];
	s0 =	simm.s32 @p1 $0x1  }
0x15: {  	[smem:$0x3FB8] =	sst s0;
	s0 =	simm.s32 @!p2 $0x0  }
0x16: {  	s3 =	sld [smem:$0x3FDB];
	s0 =	simm.s32 @p2 $0x1  }
0x17: {  	s4 =	simm.s32 $0x1BF5;
	[smem:$0x3FBA] =	sst s0  }
0x18: {  	s0 =	sld [smem:$0x3F9D];
	_ =	swait.ge [sflag:s4], $0x0  }
0x19: {  	s7 =	sld [smem:$0x3F9E]  }
0x1a: {  	s8 =	sadd.s32 $0xFFFFE003, lr  }
0x1b: {  	s9 =	sadd.s32 $0xFFFFFEF7, lr;
	s5 =	simm.s32 $0xFFFFFFFF;
	p2 =	slt.u32 s8, $0xFFFFF086  }
0x1c: {  	p1 =	slt.u32 s9, $0xF7A;
	s5 =	simm.s32 @!p2 $0x0  }
0x1d: {  	s5 =	simm.s32 @p1 $0x1;
	p0 =	seq.s32 s7, s2  }
0x1e: {  	s7 =	smul.u32 @!p0 $0xF7A, s2;
	p2 =	seq.s32 @!p0 s5, $0x0  }
0x1f: {  	s9 =	smul.u32 $0xF7A, s1;
	s8 =	simm.s32 @!p0 $0x1BF5;
	p2 =	por !p2, p0  }
0x20: {  	[sflag:s8] =	ssyncset.s32 @!p0 $0xFFFFF086;
	s6 =	sadd.s32 @!p0 s3, s7;
	s7 =	simm.s32 @!p0 $0x108  }
0x21: {  	s3 =	sadd.s32 s3, s9;
	s6 =	sadd.s32 @!p0 $0x88, s6;
	s7 =	simm.s32 @p2 $0x1082  }
0x22: {  	[simem:s7], [sflag:s8] =	dma.local @!p0 [hbm:s6], $0xF7A  }
0x23: {  	s9 =	sor.u32 $0xD0000000, s2;
	s6 =	simm.s32 $0x108;
	_ =	swait.ge @!p0 [sflag:s8], $0x0  }
0x24: {  	s3 =	sadd.s32 $0x88, s3;
	s6 =	simm.s32 @!p1 $0x1082;
	[sflag:s4] =	ssyncset.s32 $0xFFFFF086  }
0x25: {  	[simem:s6], [sflag:s4] =	dma.local [hbm:s3], $0xF7A  }
0x26: {  	[smem:$0x3F9E] =	sst s1;
	(tag) =	ssettag s2;
	_ =	strace s9  }
0x27: {  	s1 =	sld [smem:$0x3FAE]  }
0x28: {  	s2 =	sld [smem:$0x3FAF]  }
0x29: {  	s4 =	sld [smem:$0x3FB1]  }
0x2a: {  	p0 =	seq.s32 s5, $0x0;
	s5 =	sld [smem:$0x3FB2]  }
0x2b: {  	s6 =	sld [smem:$0x3FB3]  }
0x2c: {  	s7 =	sld [smem:$0x3FB4]  }
0x2d: {  	s3 =	simm.s32 $0x108;
	s8 =	sld [smem:$0x3FB5]  }
0x2e: {  	s3 =	simm.s32 @!p0 $0x1082;
	s9 =	sld [smem:$0x3FB6]  }
0x2f: {  	lr =	sadd.s32 s0, s3;
	s0 =	sld [smem:$0x3FAD]  }
0x30: {  	s3 =	sld [smem:$0x3FB0]  }
0x31: {  	[smem:$0x3FB9] =	sst s10  }
0x32: {  	s10 =	sld [smem:$0x3FB7];
	_ =	sdelay $0x3  }
0x33: {  	p0 =	seq.s32 s10, $0x1;
	s10 =	sld [smem:$0x3FB9];
	_ =	sdelay $0x3  }
0x34: {  	[smem:$0x3FB9] =	sst s10  }
0x35: {  	s10 =	sld [smem:$0x3FB8];
	_ =	sdelay $0x3  }
0x36: {  	p1 =	seq.s32 s10, $0x1;
	s10 =	sld [smem:$0x3FB9];
	_ =	sdelay $0x3  }
0x37: {  	[smem:$0x3FB9] =	sst s10  }
0x38: {  	s10 =	sld [smem:$0x3FBA]  }
0x39: {  	_ = 	snop;
	(pc) =	sbr.ind lr, $3  }
0x3a: {  	_ = 	snop  }
0x3b: {  	_ = 	snop  }
0x3c: {  	p2 =	seq.s32 s10, $0x1;
	s10 =	sld [smem:$0x3FB9]  }
0x3d: {  	_ =	shalt  }
0x3e: {  	_ =	shalt  }
0x3f: {  	_ =	shalt  }
0x40: {  	_ =	shalt  }
0x41: {  	_ =	shalt  }
0x42: {  	_ =	shalt  }
0x43: {  	_ =	shalt  }
0x44: {  	_ =	shalt  }
0x45: {  	_ =	shalt  }
0x46: {  	_ =	shalt  }
0x47: {  	_ =	shalt  }
0x48: {  	_ =	shalt  }
0x49: {  	_ =	shalt  }
0x4a: {  	_ =	shalt  }
0x4b: {  	_ =	shalt  }
0x4c: {  	_ =	shalt  }
0x4d: {  	_ =	shalt  }
0x4e: {  	_ =	shalt  }
0x4f: {  	_ =	shalt  }
0x50: {  	_ =	shalt  }
0x51: {  	_ =	shalt  }
0x52: {  	_ =	shalt  }
0x53: {  	_ =	shalt  }
0x54: {  	_ =	shalt  }
0x55: {  	_ =	shalt  }
0x56: {  	_ =	shalt  }
0x57: {  	_ =	shalt  }
0x58: {  	_ =	shalt  }
0x59: {  	_ =	shalt  }
0x5a: {  	_ =	shalt  }
0x5b: {  	_ =	shalt  }
0x5c: {  	_ =	shalt  }
0x5d: {  	_ =	shalt  }
0x5e: {  	_ =	shalt  }
0x5f: {  	_ =	shalt  }
0x60: {  	_ =	shalt  }
0x61: {  	_ =	shalt  }
0x62: {  	_ =	shalt  }
0x63: {  	_ =	shalt  }
0x64: {  	_ =	shalt  }
0x65: {  	_ =	shalt  }
0x66: {  	_ =	shalt  }
0x67: {  	_ =	shalt  }
0x68: {  	_ =	shalt  }
0x69: {  	_ =	shalt  }
0x6a: {  	_ =	shalt  }
0x6b: {  	_ =	shalt  }
0x6c: {  	_ =	shalt  }
0x6d: {  	_ =	shalt  }
0x6e: {  	_ =	shalt  }
0x6f: {  	_ =	shalt  }
0x70: {  	_ =	shalt  }
0x71: {  	_ =	shalt  }
0x72: {  	_ =	shalt  }
0x73: {  	_ =	shalt  }
0x74: {  	_ =	shalt  }
0x75: {  	_ =	shalt  }
0x76: {  	_ =	shalt  }
0x77: {  	_ =	shalt  }
0x78: {  	_ =	shalt  }
0x79: {  	_ =	shalt  }
0x7a: {  	_ =	shalt  }
0x7b: {  	_ =	shalt  }
0x7c: {  	_ =	shalt  }
0x7d: {  	_ =	shalt  }
0x7e: {  	_ =	shalt  }
0x7f: {  	_ =	shalt  }
0x80: {  	_ =	shalt  }
0x81: {  	_ =	shalt  }
0x82: {  	_ =	shalt  }
0x83: {  	_ =	shalt  }
0x84: {  	_ =	shalt  }
0x85: {  	_ =	shalt  }
0x86: {  	_ =	shalt  }
0x87: {  	_ =	shalt  }
.Lfunc_end0:
.L_simem_size_0:
called_computation_lowered:
.L_overlay_start_0:
0x88: {  	s0 =	sld [smem:$0x3FD9]  }
0x89: {  	s1 =	sld [smem:$0x3FFE];
	_ =	sdelay $0x3  }
0x8a: {  	s0 =	sadd.s32 s1, s0  }
0x8b: {  	[smem:$0x3FC5] =	sst s0  }
0x8c: {  	_ = 	snop  }
0x8d: {  	s0 =	sld [smem:$0x3FC9]  }
0x8e: {  	s17 =	sld [smem:$0x3FC8]  }
0x8f: {  	s2 =	sld [smem:$0x3FC7]  }
0x90: {  	s3 =	sld [smem:$0x3FD0];
	(tm) =	ssettm $0x1  }
0x91: {  	s4 =	sld [smem:$0x3FFB];
	_ =	sdelay $0x3  }
0x92: {  	_ =	strace s4  }
0x93: {  	s4 =	sld [smem:$0x3FFC];
	_ =	sdelay $0x3  }
0x94: {  	_ =	strace s4  }
0x95: {  	s4 =	sld [smem:$0x3FFD];
	_ =	sdelay $0x3  }
0x96: {  	_ =	strace s4  }
0x97: {  	_ =	strace $0x8FFFFFFF  }
0x98: {  	s18 =	sld [smem:$0x3FDB];
	_ =	sdelay $0x1  }
0x99: {  	s5 =	simm.s32 $_scs_section_size  }
0x9a: {  	s6 =	simm.s32 $_size__tile_overlayer_lowered;
	s7 =	simm.s32 $_tile_overlayer_lowered  }
0x9b: {  	s21 =	simm.s32 $0x1BFF;
	s20 =	sshll.u32 s7, $0x1;
	s4 =	sadd.s32 s5, s18  }
0x9c: {  	s8 =	simm.s32 $0x0;
	s19 =	sshll.u32 s6, $0x1;
	s6 =	sadd.s32 s20, s4  }
0x9d: {  	[timem:s8], [sflag:s21] =	dma.local [hbm:s6], s19  }
0x9e: {  	_ =	swait.ge [sflag:s21], s19  }
0x9f: {  	s5 =	ssub.s32 $0x0, s19;
	[sflag:s21] =	ssyncset.done $0x0  }
0xa0: {  	[sflag:s21] =	ssyncadd.s32 s5;
	_ =	sdelay $0x1  }
0xa1: {  	s22 =	simm.s32 $0x1B8B  }
0xa2: {  	_ =	swait.ge [sflag:s22], $0x1  }
0xa3: {  	[sflag:s22] =	ssyncset.done $0x0  }
0xa4: {  	s23 =	simm.s32 $0x1B8E;
	[sflag:s22] =	ssyncadd.s32 $0xFFFFFFFF  }
0xa5: {  	s24 =	simm.s32 $execute0_lowered;
	[smem:$0x3FD2] =	sst s23  }
0xa6: {  	s5 =	sshll.u32 s24, $0x1;
	_ =	strace $0x80000046;
	[dreg:$0x1] =	wrdreg $0xFFFFFFFF  }
0xa7: {  	s25 =	simm.s32 $_size_execute0_lowered;
	s4 =	sadd.s32 s4, s5;
	[dreg:$0x0] =	wrdreg $0x0  }
0xa8: {  	s5 =	sshll.u32 s25, $0x1;
	[dreg:$0x2] =	wrdreg s4  }
0xa9: {  	[dreg:$0x3] =	wrdreg s5  }
0xaa: {  	[dreg:$0x4] =	wrdreg $0xC0  }
0xab: {  	_ =	task [dreg:s8], $0x5FFFF  }
0xac: {  	[dreg:$0x1] =	wrdreg $0xFFFFFFFF  }
0xad: {  	[dreg:$0x0] =	wrdreg $0x60  }
0xae: {  	[dreg:$0x2] =	wrdreg s0  }
0xaf: {  	[dreg:$0x3] =	wrdreg s17  }
0xb0: {  	[dreg:$0x4] =	wrdreg s2  }
0xb1: {  	[dreg:$0x5] =	wrdreg s3  }
0xb2: {  	[dreg:$0x6] =	wrdreg $0x28800  }
0xb3: {  	[dreg:$0x7] =	wrdreg $0x9  }
0xb4: {  	_ =	task.clear_ibuf [dreg:s8], $0x8FFFF;
	_ =	strace $0x90000046  }
0xb5: {  	s26 =	simm.s32 $0x9;
	_ =	strace $0x80000048  }
0xb6: {  	_ =	swait.ge [sflag:s26], $0x1  }
0xb7: {  	[sflag:s26] =	ssyncadd.s32 $0xFFFFFFFF  }
0xb8: {  	_ =	strace $0x90000048  }
0xb9: {  	_ =	sfence  }
0xba: {  	s28 =	sld [smem:$0x0];
	_ =	sdelay $0x1  }
0xbb: {  	s29 =	srdreg.scid  }
0xbc: {  	s30 =	sshll.u32 s29, $0xD;
	s31 =	sshrl.u32 s29, $0x2  }
0xbd: {  	s1 =	sand.u32 $0x1, s29;
	s2 =	sand.u32 $0x4000, s30;
	s0 =	sadd.s32 s31, s28  }
0xbe: {  	s1 =	sor.u32 s2, s1;
	s0 =	sshll.u32 s0, $0x11  }
0xbf: {  	s0 =	sor.u32 s0, s1  }
0xc0: {  	s0 =	sadd.s32 $0x8F2B, s0  }
0xc1: {  	[sflag:s0] =	ssyncadd.remote.s32 $0x1  }
0xc2: {  	_ =	sfence.sel $0xFFFF  }
0xc3: {  	[dreg:$0x0] =	wrdreg $0xFFFFFFFF;
	(pc) =	sbr.abs _section_cstart, $3  }
0xc4: {  	[dreg:$0x1] =	wrdreg $0xFFFFFFFF  }
0xc5: {  	_ =	task.clear_ibuf [dreg:s8], $0x2FFFF;
	_ =	strace $0x9FFFFFFF  }
0xc6: {  	(tm) =	ssettm $0x7FFFFFFF  }
0xc7: {  	_ =	shalt  }
tec
execute0_lowered:
.L_overlay_start_1:
0x0: {  	(tag) =	ssettag $0x1  }
0x1: {  	s5 =	rddreg [dreg:$0x0]  }
0x2: {  	s6 =	rddreg [dreg:$0x1]  }
0x3: {  	s7 =	rddreg [dreg:$0x2]  }
0x4: {  	s1 =	rddreg [dreg:$0x3]  }
0x5: {  	s2 =	rddreg [dreg:$0x4]  }
0x6: {  	s0 =	rddreg [dreg:$0x5];
	s8 =	simm.s32 $0x0;
	s3 =	stileid.u32  }
0x7: {  	[smem:$0x7FF] =	sst s8;
	s4 =	sshll.u32 s3, $0x8  }
0x8: {  	s9 =	simm.s32 $0x2;
	_ =	strace $0x80000047;
	s6 =	sadd.s32 s6, s4  }
0x9: {  	[tilespmem:s8], [sflag:$0x2] =	stream.linear.gather [hbm4b:s6+s8], $0x800, $0x38;
	[tilespmem:$0x28C0] =	vst v63  }
0xa: {  	_ =	swait.ge [sflag:s9], $0x800  }
0xb: {  	[sflag:s9] =	ssyncset.done $0x0  }
0xc: {  	s31 =	simm.s32 $0x1800;
	s30 =	sadd.s32 s7, s4;
	[sflag:s9] =	ssyncadd.s32 $0xFFFFF800  }
0xd: {  	[tilespmem:s31], [sflag:$0x2] =	stream.linear.gather [hbm4b:s30+s8], $0x800, $0x38;
	[tilespmem:$0x28C0] =	vst v63  }
0xe: {  	_ =	swait.ge [sflag:s9], $0x800  }
0xf: {  	s6 =	sshll.u32 s3, $0xB;
	[sflag:s9] =	ssyncset.done $0x0  }
0x10: {  	s7 =	simm.s32 $0x0;
	v1 =	vmov s6;
	[sflag:s9] =	ssyncadd.s32 $0xFFFFF800  }
0x11: {  	v2 =	vshll.u32 v1, $0x7;
	v1 =	vld [tilespmem:s7+$0x0]  }
0x12: {  	v0 =	vlaneseq.u32  }
0x13: {  	v0 =	vmul.u32 $0x80, v0;
	_ =	sdelay $0x1  }
0x14: {  	v2 =	vor.u32 v0, v2;
	s8 =	simm.s32 $0x40  }
.LBB2_1:
0x15: {  	s9 =	sshra.s32 s8, $0x2;
	p0 =	sne.s32 s8, $0x1FC0;
	s8 =	sadd.s32 $0x40, s8;
	v2 =	vadd.s32 v2, v1  }
.Ltmp0:
0x16: {  	v1 =	vld [tilespmem:s9+$0x0];
	[tilespmem:s7+$0x800] =	vst v2;
	s7 =	smov.u32 s9;
	(pc) =	sbr.rel @p0 .LBB2_1-.Ltmp0, $4  }
0x17: {  	s6 =	sadd.s32 $0x10, s6  }
0x18: {  	v2 =	vmov s6  }
0x19: {  	v2 =	vshll.u32 v2, $0x7  }
0x1a: {  	v2 =	vor.u32 v0, v2  }
0x1b: {  	v0 =	vadd.s32 v2, v1  }
0x1c: {  	s6 =	simm.s32 $0x800;
	s30 =	simm.s32 $0x1000;
	[tilespmem:s7+$0x800] =	vst v0  }
0x1d: {  	v0 =	vimm.f32 $0.0e+00;
	[tilespmem:s30], [sflag:$0x1] =	stream.indirect.gather [hbm4b:s5+s6], $0x1, s6, s6, $0xb8;
	[tilespmem:$0x28C0] =	vst v63  }
0x1e: {  	[tilespmem:$0x2000] =	vst v0  }
0x1f: {  	[tilespmem:$0x2010] =	vst v0  }
0x20: {  	[tilespmem:$0x2020] =	vst v0  }
0x21: {  	[tilespmem:$0x2030] =	vst v0  }
0x22: {  	[tilespmem:$0x2040] =	vst v0  }
0x23: {  	[tilespmem:$0x2050] =	vst v0  }
0x24: {  	[tilespmem:$0x2060] =	vst v0  }
0x25: {  	[tilespmem:$0x2070] =	vst v0  }
0x26: {  	[tilespmem:$0x2080] =	vst v0  }
0x27: {  	[tilespmem:$0x2090] =	vst v0  }
0x28: {  	[tilespmem:$0x20A0] =	vst v0  }
0x29: {  	[tilespmem:$0x20B0] =	vst v0  }
0x2a: {  	[tilespmem:$0x20C0] =	vst v0  }
0x2b: {  	[tilespmem:$0x20D0] =	vst v0  }
0x2c: {  	[tilespmem:$0x20E0] =	vst v0  }
0x2d: {  	[tilespmem:$0x20F0] =	vst v0  }
0x2e: {  	[tilespmem:$0x2100] =	vst v0  }
0x2f: {  	[tilespmem:$0x2110] =	vst v0  }
0x30: {  	[tilespmem:$0x2120] =	vst v0  }
0x31: {  	[tilespmem:$0x2130] =	vst v0  }
0x32: {  	[tilespmem:$0x2140] =	vst v0  }
0x33: {  	[tilespmem:$0x2150] =	vst v0  }
0x34: {  	[tilespmem:$0x2160] =	vst v0  }
0x35: {  	[tilespmem:$0x2170] =	vst v0  }
0x36: {  	[tilespmem:$0x2180] =	vst v0  }
0x37: {  	[tilespmem:$0x2190] =	vst v0  }
0x38: {  	[tilespmem:$0x21A0] =	vst v0  }
0x39: {  	[tilespmem:$0x21B0] =	vst v0  }
0x3a: {  	[tilespmem:$0x21C0] =	vst v0  }
0x3b: {  	[tilespmem:$0x21D0] =	vst v0  }
0x3c: {  	[tilespmem:$0x21E0] =	vst v0  }
0x3d: {  	[tilespmem:$0x21F0] =	vst v0  }
0x3e: {  	[tilespmem:$0x2200] =	vst v0  }
0x3f: {  	[tilespmem:$0x2210] =	vst v0  }
0x40: {  	[tilespmem:$0x2220] =	vst v0  }
0x41: {  	[tilespmem:$0x2230] =	vst v0  }
0x42: {  	[tilespmem:$0x2240] =	vst v0  }
0x43: {  	[tilespmem:$0x2250] =	vst v0  }
0x44: {  	[tilespmem:$0x2260] =	vst v0  }
0x45: {  	[tilespmem:$0x2270] =	vst v0  }
0x46: {  	[tilespmem:$0x2280] =	vst v0  }
0x47: {  	[tilespmem:$0x2290] =	vst v0  }
0x48: {  	[tilespmem:$0x22A0] =	vst v0  }
0x49: {  	[tilespmem:$0x22B0] =	vst v0  }
0x4a: {  	[tilespmem:$0x22C0] =	vst v0  }
0x4b: {  	[tilespmem:$0x22D0] =	vst v0  }
0x4c: {  	[tilespmem:$0x22E0] =	vst v0  }
0x4d: {  	[tilespmem:$0x22F0] =	vst v0  }
0x4e: {  	[tilespmem:$0x2300] =	vst v0  }
0x4f: {  	[tilespmem:$0x2310] =	vst v0  }
0x50: {  	[tilespmem:$0x2320] =	vst v0  }
0x51: {  	[tilespmem:$0x2330] =	vst v0  }
0x52: {  	[tilespmem:$0x2340] =	vst v0  }
0x53: {  	[tilespmem:$0x2350] =	vst v0  }
0x54: {  	[tilespmem:$0x2360] =	vst v0  }
0x55: {  	[tilespmem:$0x2370] =	vst v0  }
0x56: {  	[tilespmem:$0x2380] =	vst v0  }
0x57: {  	[tilespmem:$0x2390] =	vst v0  }
0x58: {  	[tilespmem:$0x23A0] =	vst v0  }
0x59: {  	[tilespmem:$0x23B0] =	vst v0  }
0x5a: {  	[tilespmem:$0x23C0] =	vst v0  }
0x5b: {  	[tilespmem:$0x23D0] =	vst v0  }
0x5c: {  	[tilespmem:$0x23E0] =	vst v0  }
0x5d: {  	s31 =	simm.s32 $0x1;
	[tilespmem:$0x23F0] =	vst v0  }
0x5e: {  	_ =	swait.ge [sflag:s31], $0x800  }
0x5f: {  	s7 =	simm.s32 $0x0;
	v0 =	vlaneseq.u32;
	[sflag:s31] =	ssyncset.done $0x0  }
0x60: {  	s5 =	simm.s32 $0x2000;
	s6 =	simm.s32 $0x40;
	v0 =	vmul.u32 $0x40, v0;
	[sflag:s31] =	ssyncadd.s32 $0xFFFFF800  }
.LBB2_3:
0x61: {  	p0 =	sne.s32 s6, $0x1FC0;
	v1 =	vld [tilespmem:s7+$0x1800];
	_ =	sdelay $0x4  }
0x62: {  	v2 =	vld [tilespmem:s7+$0x1000];
	v1 =	vadd.s32 v0, v1  }
.Ltmp1:
0x63: {  	(pc) =	sbr.rel @p0 .LBB2_3-.Ltmp1, $2  }
0x64: {  	_ =	sdelay $0x2  }
0x65: {  	s7 =	sshra.s32 s6, $0x2;
	s6 =	sadd.s32 $0x40, s6;
	[tilespmem:v1+s5+$0x0] =	vst.idx.add.f32.msk $0xffff, v2  }
0x66: {  	v1 =	vld [tilespmem:s7+$0x1800];
	_ =	sdelay $0x4  }
0x67: {  	v2 =	vld [tilespmem:s7+$0x1000];
	v0 =	vadd.s32 v0, v1;
	_ =	sdelay $0x4  }
0x68: {  	[tilespmem:v0+s5+$0x0] =	vst.idx.add.f32.msk $0xffff, v2  }
0x69: {  	v0 =	vld [tilespmem:$0x2000]  }
0x6a: {  	v58 =	vld [tilespmem:$0x2040]  }
0x6b: {  	v2 =	vld [tilespmem:$0x2080]  }
0x6c: {  	v3 =	vld [tilespmem:$0x20C0]  }
0x6d: {  	v4 =	vld [tilespmem:$0x2100]  }
0x6e: {  	v5 =	vld [tilespmem:$0x2140]  }
0x6f: {  	v6 =	vld [tilespmem:$0x2180]  }
0x70: {  	v7 =	vld [tilespmem:$0x21C0]  }
0x71: {  	v8 =	vld [tilespmem:$0x2200]  }
0x72: {  	v9 =	vld [tilespmem:$0x2240]  }
0x73: {  	v10 =	vld [tilespmem:$0x2280]  }
0x74: {  	v11 =	vld [tilespmem:$0x22C0]  }
0x75: {  	v12 =	vld [tilespmem:$0x2300]  }
0x76: {  	v13 =	vld [tilespmem:$0x2340]  }
0x77: {  	v14 =	vld [tilespmem:$0x2380]  }
0x78: {  	v15 =	vld [tilespmem:$0x23C0]  }
0x79: {  	v16 =	vld [tilespmem:$0x2010]  }
0x7a: {  	v17 =	vld [tilespmem:$0x2050]  }
0x7b: {  	v18 =	vld [tilespmem:$0x2090]  }
0x7c: {  	v19 =	vld [tilespmem:$0x20D0]  }
0x7d: {  	v20 =	vld [tilespmem:$0x2110]  }
0x7e: {  	v21 =	vld [tilespmem:$0x2150]  }
0x7f: {  	v22 =	vld [tilespmem:$0x2190]  }
0x80: {  	v23 =	vld [tilespmem:$0x21D0]  }
0x81: {  	v24 =	vld [tilespmem:$0x2210]  }
0x82: {  	v25 =	vld [tilespmem:$0x2250]  }
0x83: {  	v26 =	vld [tilespmem:$0x2290]  }
0x84: {  	v27 =	vld [tilespmem:$0x22D0]  }
0x85: {  	v28 =	vld [tilespmem:$0x2310]  }
0x86: {  	v29 =	vld [tilespmem:$0x2350]  }
0x87: {  	v30 =	vld [tilespmem:$0x2390]  }
0x88: {  	v31 =	vld [tilespmem:$0x23D0]  }
0x89: {  	v32 =	vld [tilespmem:$0x2020]  }
0x8a: {  	v33 =	vld [tilespmem:$0x2060]  }
0x8b: {  	v34 =	vld [tilespmem:$0x2030]  }
0x8c: {  	v35 =	vld [tilespmem:$0x2070]  }
0x8d: {  	v36 =	vld [tilespmem:$0x20A0]  }
0x8e: {  	v59 =	vld [tilespmem:$0x20B0];
	v0 =	vadd.f32 v58, v0  }
0x8f: {  	v60 =	vld [tilespmem:$0x20E0];
	v16 =	vadd.f32 v17, v16  }
0x90: {  	v62 =	vld [tilespmem:$0x20F0];
	v61 =	vadd.f32 v33, v32;
	v0 =	vadd.f32 v2, v0  }
0x91: {  	v37 =	vld [tilespmem:$0x2120];
	v63 =	vadd.f32 v35, v34;
	v16 =	vadd.f32 v18, v16  }
0x92: {  	v38 =	vld [tilespmem:$0x2130];
	v2 =	vadd.f32 v36, v61;
	v0 =	vadd.f32 v3, v0  }
0x93: {  	v39 =	vld [tilespmem:$0x2160];
	v1 =	vadd.f32 v59, v63;
	v16 =	vadd.f32 v19, v16  }
0x94: {  	v40 =	vld [tilespmem:$0x2170];
	v2 =	vadd.f32 v60, v2;
	v0 =	vadd.f32 v4, v0  }
0x95: {  	v41 =	vld [tilespmem:$0x21A0];
	v1 =	vadd.f32 v62, v1;
	v16 =	vadd.f32 v20, v16  }
0x96: {  	v42 =	vld [tilespmem:$0x21B0];
	v2 =	vadd.f32 v37, v2;
	v0 =	vadd.f32 v5, v0  }
0x97: {  	v43 =	vld [tilespmem:$0x21E0];
	v1 =	vadd.f32 v38, v1;
	v16 =	vadd.f32 v21, v16  }
0x98: {  	v44 =	vld [tilespmem:$0x21F0];
	v2 =	vadd.f32 v39, v2;
	v0 =	vadd.f32 v6, v0  }
0x99: {  	v45 =	vld [tilespmem:$0x2220];
	v1 =	vadd.f32 v40, v1;
	v16 =	vadd.f32 v22, v16  }
0x9a: {  	v46 =	vld [tilespmem:$0x2230];
	v2 =	vadd.f32 v41, v2;
	v0 =	vadd.f32 v7, v0  }
0x9b: {  	v47 =	vld [tilespmem:$0x2260];
	v1 =	vadd.f32 v42, v1;
	v16 =	vadd.f32 v23, v16  }
0x9c: {  	v48 =	vld [tilespmem:$0x2270];
	v2 =	vadd.f32 v43, v2;
	v0 =	vadd.f32 v8, v0  }
0x9d: {  	v50 =	vld [tilespmem:$0x22A0];
	v1 =	vadd.f32 v44, v1;
	v49 =	vadd.f32 v24, v16  }
0x9e: {  	v51 =	vld [tilespmem:$0x22B0];
	v2 =	vadd.f32 v45, v2;
	v0 =	vadd.f32 v9, v0  }
0x9f: {  	v52 =	vld [tilespmem:$0x22E0];
	v1 =	vadd.f32 v46, v1;
	v8 =	vadd.f32 v25, v49  }
0xa0: {  	v53 =	vld [tilespmem:$0x22F0];
	v2 =	vadd.f32 v47, v2;
	v0 =	vadd.f32 v10, v0  }
0xa1: {  	v54 =	vld [tilespmem:$0x2320];
	v1 =	vadd.f32 v48, v1;
	v8 =	vadd.f32 v26, v8  }
0xa2: {  	v55 =	vld [tilespmem:$0x2330];
	v2 =	vadd.f32 v50, v2;
	v0 =	vadd.f32 v11, v0  }
0xa3: {  	v56 =	vld [tilespmem:$0x2360];
	v1 =	vadd.f32 v51, v1;
	v8 =	vadd.f32 v27, v8  }
0xa4: {  	v57 =	vld [tilespmem:$0x2370];
	v2 =	vadd.f32 v52, v2;
	v0 =	vadd.f32 v12, v0  }
0xa5: {  	v58 =	vld [tilespmem:$0x23A0];
	v1 =	vadd.f32 v53, v1;
	v8 =	vadd.f32 v28, v8  }
0xa6: {  	v59 =	vld [tilespmem:$0x23B0];
	v2 =	vadd.f32 v54, v2;
	v0 =	vadd.f32 v13, v0  }
0xa7: {  	v60 =	vld [tilespmem:$0x23E0];
	v1 =	vadd.f32 v55, v1;
	v8 =	vadd.f32 v29, v8  }
0xa8: {  	v61 =	vld [tilespmem:$0x23F0];
	v2 =	vadd.f32 v56, v2;
	v0 =	vadd.f32 v14, v0  }
0xa9: {  	v1 =	vadd.f32 v57, v1;
	v8 =	vadd.f32 v30, v8  }
0xaa: {  	v2 =	vadd.f32 v58, v2;
	v0 =	vadd.f32 v15, v0  }
0xab: {  	v1 =	vadd.f32 v59, v1;
	v62 =	vadd.f32 v31, v8  }
0xac: {  	v63 =	vadd.f32 v60, v2;
	[tilespmem:$0x2400] =	vst v0  }
0xad: {  	v1 =	vadd.f32 v61, v1;
	[tilespmem:$0x2410] =	vst v62  }
0xae: {  	s4 =	sshrl.u32 s4, $0x2;
	[tilespmem:$0x2420] =	vst v63  }
0xaf: {  	s4 =	sadd.s32 s4, s2;
	s5 =	simm.s32 $0x2400;
	[tilespmem:$0x2430] =	vst v1  }
0xb0: {  	[spmem:s4] =	stream.linear.scatter [tilespmem:s5], [sflag:$0x2], $0x40, $0x38;
	[tilespmem:$0x28C0] =	vst v63  }
0xb1: {  	s4 =	simm.s32 $0x2  }
0xb2: {  	_ =	swait.ge [sflag:s4], $0x40  }
0xb3: {  	[sflag:s4] =	ssyncset.done $0x0  }
0xb4: {  	[sflag:s4] =	ssyncadd.s32 $0xFFFFFFC0  }
0xb5: {  	p0 =	sne.s32 s3, $0x0;
	[bflag:$0x0] =	sbarrier.arrive $0xFFFF  }
0xb6: {  	_ =	sfence.sel @p0 $0x180000  }
0xb7: {  	[bflag:$0x0] =	sbarrier.arrive @p0 $0xFFFF  }
0xb8: {  	_ =	strace @p0 $0x90000047  }
0xb9: {  	[bflag:$0x2] =	sbarrier.arrive @p0 $0xFFFF  }
0xba: {  	_ =	shalt @p0  }
.LBB2_5:
0xbb: {  	s3 =	simm.s32 $0x2480  }
0xbc: {  	[tilespmem:s3], [sflag:$0x2] =	stream.linear.gather [spmem:s2], $0x400, $0x38;
	[tilespmem:$0x28C0] =	vst v63  }
0xbd: {  	_ =	swait.ge [sflag:s4], $0x400  }
0xbe: {  	[sflag:s4] =	ssyncset.done $0x0  }
0xbf: {  	[sflag:s4] =	ssyncadd.s32 $0xFFFFFC00  }
0xc0: {  	v0 =	vld [tilespmem:$0x2480]  }
0xc1: {  	v1 =	vld [tilespmem:$0x24C0]  }
0xc2: {  	v2 =	vld [tilespmem:$0x2500]  }
0xc3: {  	v3 =	vld [tilespmem:$0x2540]  }
0xc4: {  	v4 =	vld [tilespmem:$0x2580]  }
0xc5: {  	v5 =	vld [tilespmem:$0x25C0]  }
0xc6: {  	v6 =	vld [tilespmem:$0x2600]  }
0xc7: {  	v7 =	vld [tilespmem:$0x2640]  }
0xc8: {  	v8 =	vld [tilespmem:$0x2680]  }
0xc9: {  	v9 =	vld [tilespmem:$0x26C0]  }
0xca: {  	v10 =	vld [tilespmem:$0x2700]  }
0xcb: {  	v11 =	vld [tilespmem:$0x2740]  }
0xcc: {  	v12 =	vld [tilespmem:$0x2780]  }
0xcd: {  	v13 =	vld [tilespmem:$0x27C0]  }
0xce: {  	v14 =	vld [tilespmem:$0x2800]  }
0xcf: {  	v15 =	vld [tilespmem:$0x2840]  }
0xd0: {  	v16 =	vld [tilespmem:$0x2490]  }
0xd1: {  	v17 =	vld [tilespmem:$0x24D0]  }
0xd2: {  	v18 =	vld [tilespmem:$0x2510]  }
0xd3: {  	v19 =	vld [tilespmem:$0x2550]  }
0xd4: {  	v20 =	vld [tilespmem:$0x2590]  }
0xd5: {  	v21 =	vld [tilespmem:$0x25D0]  }
0xd6: {  	v22 =	vld [tilespmem:$0x2610]  }
0xd7: {  	v23 =	vld [tilespmem:$0x2650]  }
0xd8: {  	v24 =	vld [tilespmem:$0x2690]  }
0xd9: {  	v25 =	vld [tilespmem:$0x26D0]  }
0xda: {  	v26 =	vld [tilespmem:$0x2710]  }
0xdb: {  	v27 =	vld [tilespmem:$0x2750]  }
0xdc: {  	v28 =	vld [tilespmem:$0x2790]  }
0xdd: {  	v29 =	vld [tilespmem:$0x27D0]  }
0xde: {  	v30 =	vld [tilespmem:$0x2810]  }
0xdf: {  	v31 =	vld [tilespmem:$0x2850]  }
0xe0: {  	v32 =	vld [tilespmem:$0x24A0]  }
0xe1: {  	v33 =	vld [tilespmem:$0x24E0]  }
0xe2: {  	v34 =	vld [tilespmem:$0x24B0]  }
0xe3: {  	v35 =	vld [tilespmem:$0x24F0]  }
0xe4: {  	v36 =	vld [tilespmem:$0x2520]  }
0xe5: {  	v59 =	vld [tilespmem:$0x2530];
	v0 =	vadd.f32 v1, v0  }
0xe6: {  	v60 =	vld [tilespmem:$0x2560];
	v16 =	vadd.f32 v17, v16  }
0xe7: {  	v62 =	vld [tilespmem:$0x2570];
	v61 =	vadd.f32 v33, v32;
	v0 =	vadd.f32 v2, v0  }
0xe8: {  	v37 =	vld [tilespmem:$0x25A0];
	v63 =	vadd.f32 v35, v34;
	v16 =	vadd.f32 v18, v16  }
0xe9: {  	v38 =	vld [tilespmem:$0x25B0];
	v2 =	vadd.f32 v36, v61;
	v0 =	vadd.f32 v3, v0  }
0xea: {  	v39 =	vld [tilespmem:$0x25E0];
	v1 =	vadd.f32 v59, v63;
	v16 =	vadd.f32 v19, v16  }
0xeb: {  	v40 =	vld [tilespmem:$0x25F0];
	v2 =	vadd.f32 v60, v2;
	v0 =	vadd.f32 v4, v0  }
0xec: {  	v41 =	vld [tilespmem:$0x2620];
	v1 =	vadd.f32 v62, v1;
	v16 =	vadd.f32 v20, v16  }
0xed: {  	v42 =	vld [tilespmem:$0x2630];
	v2 =	vadd.f32 v37, v2;
	v0 =	vadd.f32 v5, v0  }
0xee: {  	v43 =	vld [tilespmem:$0x2660];
	v1 =	vadd.f32 v38, v1;
	v16 =	vadd.f32 v21, v16  }
0xef: {  	v44 =	vld [tilespmem:$0x2670];
	v2 =	vadd.f32 v39, v2;
	v0 =	vadd.f32 v6, v0  }
0xf0: {  	v45 =	vld [tilespmem:$0x26A0];
	v1 =	vadd.f32 v40, v1;
	v16 =	vadd.f32 v22, v16  }
0xf1: {  	v46 =	vld [tilespmem:$0x26B0];
	v2 =	vadd.f32 v41, v2;
	v0 =	vadd.f32 v7, v0  }
0xf2: {  	v47 =	vld [tilespmem:$0x26E0];
	v1 =	vadd.f32 v42, v1;
	v16 =	vadd.f32 v23, v16  }
0xf3: {  	v48 =	vld [tilespmem:$0x26F0];
	v2 =	vadd.f32 v43, v2;
	v0 =	vadd.f32 v8, v0  }
0xf4: {  	v50 =	vld [tilespmem:$0x2720];
	v1 =	vadd.f32 v44, v1;
	v49 =	vadd.f32 v24, v16  }
0xf5: {  	v51 =	vld [tilespmem:$0x2730];
	v2 =	vadd.f32 v45, v2;
	v0 =	vadd.f32 v9, v0  }
0xf6: {  	v52 =	vld [tilespmem:$0x2760];
	v1 =	vadd.f32 v46, v1;
	v8 =	vadd.f32 v25, v49  }
0xf7: {  	v53 =	vld [tilespmem:$0x2770];
	v2 =	vadd.f32 v47, v2;
	v0 =	vadd.f32 v10, v0  }
0xf8: {  	v54 =	vld [tilespmem:$0x27A0];
	v1 =	vadd.f32 v48, v1;
	v8 =	vadd.f32 v26, v8  }
0xf9: {  	v55 =	vld [tilespmem:$0x27B0];
	v2 =	vadd.f32 v50, v2;
	v0 =	vadd.f32 v11, v0  }
0xfa: {  	v56 =	vld [tilespmem:$0x27E0];
	v1 =	vadd.f32 v51, v1;
	v8 =	vadd.f32 v27, v8  }
0xfb: {  	v57 =	vld [tilespmem:$0x27F0];
	v2 =	vadd.f32 v52, v2;
	v0 =	vadd.f32 v12, v0  }
0xfc: {  	v58 =	vld [tilespmem:$0x2820];
	v1 =	vadd.f32 v53, v1;
	v8 =	vadd.f32 v28, v8  }
0xfd: {  	v59 =	vld [tilespmem:$0x2830];
	v2 =	vadd.f32 v54, v2;
	v0 =	vadd.f32 v13, v0  }
0xfe: {  	v60 =	vld [tilespmem:$0x2860];
	v1 =	vadd.f32 v55, v1;
	v8 =	vadd.f32 v29, v8  }
0xff: {  	v61 =	vld [tilespmem:$0x2870];
	v2 =	vadd.f32 v56, v2;
	v0 =	vadd.f32 v14, v0  }
0x100: {  	v1 =	vadd.f32 v57, v1;
	v8 =	vadd.f32 v30, v8  }
0x101: {  	v2 =	vadd.f32 v58, v2;
	v0 =	vadd.f32 v15, v0  }
0x102: {  	v1 =	vadd.f32 v59, v1;
	v62 =	vadd.f32 v31, v8  }
0x103: {  	v63 =	vadd.f32 v60, v2;
	[tilespmem:$0x2400] =	vst v0  }
0x104: {  	v1 =	vadd.f32 v61, v1;
	[tilespmem:$0x2410] =	vst v62  }
0x105: {  	[tilespmem:$0x2420] =	vst v63  }
0x106: {  	s31 =	simm.s32 $0x0;
	[tilespmem:$0x2430] =	vst v1  }
0x107: {  	[hbm4b:s1+s31] =	stream.linear.scatter [tilespmem:s5], [sflag:$0x2], $0x80, $0x38;
	[tilespmem:$0x28C0] =	vst v63  }
0x108: {  	_ =	swait.ge [sflag:s4], $0x80  }
0x109: {  	[sflag:s4] =	ssyncset.done $0x0  }
0x10a: {  	[sflag:s4] =	ssyncadd.s32 $0xFFFFFF80  }
0x10b: {  	_ =	sfence.sel $0x180000  }
0x10c: {  	[bflag:$0x0] =	sbarrier.arrive $0xFFFF  }
0x10d: {  	_ =	strace $0x90000047  }
0x10e: {  	s0 =	sadd.s32 $0x100000, s0;
	[bflag:$0x2] =	sbarrier.arrive $0xFFFF  }
0x10f: {  	[sflag:s0] =	ssyncadd.tile.s32 $0x1;
	_ =	shalt  }
.Lfunc_end2:
_tile_overlayer_lowered:
.L_overlay_start_2:
0x110: {  	(tag) =	ssettag $0x2  }
0x111: {  	s0 =	rddreg [dreg:$0x0];
	s2 =	stileid.u32  }
0x112: {  	s1 =	rddreg [dreg:$0x1];
	p0 =	sne.s32 s2, $0x0  }
0x113: {  	s3 =	rddreg [dreg:$0x2];
	[bflag:$0x3] =	sbarrier.arrive $0xFFFF;
	s2 =	simm.s32 @!p0 $0x1C02  }
0x114: {  	[timem:s3], [sflag:s2] =	dma.local @!p0 [hbm:s0], s1  }
0x115: {  	s0 =	simm.s32 @!p0 $0x2  }
0x116: {  	_ =	swait.ge @!p0 [sflag:s0], s1  }
0x117: {  	s1 =	ssub.s32 @!p0 $0x0, s1;
	[sflag:s0] =	ssyncset.done @!p0 $0x0  }
0x118: {  	[sflag:s0] =	ssyncadd.s32 @!p0 s1  }
0x119: {  	[bflag:$0x3] =	sbarrier.arrive $0xFFFF  }
0x11a: {  	_ =	shalt  }

</sc_bundles>
